<compile_context>
chip_gen: v7x
topology: tpu7x:2x2x1
jax: 0.10.2.dev20260603
libtpu: 0.0.44.dev20260713+nightly
codegen_flags: <defaults>
</compile_context>

<pallas_src>
import functools

import jax
import jax.numpy as jnp
from jax import lax
from jax.experimental import pallas as pl
from jax.experimental.pallas import tpu as pltpu
from jax.experimental.pallas import tpu_sc as plsc

_NC = 2
_NS = 16
_L = 16


def _sc_hist_gather(edge_index, node_type, out_idx):
    n = node_type.shape[0]
    e = edge_index.shape[1]
    k = out_idx.shape[0]
    nw = _NC * _NS
    assert e % 128 == 0
    rows = e // 128
    base_rows = rows // nw
    extra = rows - base_rows * nw
    main_e = base_rows * 128
    chunks = base_rows + (1 if extra else 0)
    epad = chunks * 128
    assert k % _NS == 0
    kp = k // _NS
    assert kp % _L == 0
    cnt_sz = 3 * n
    cntp = -(-cnt_sz // (_NS * _L)) * (_NS * _L)
    zslice = cntp // _NS
    dump = cnt_sz

    mesh = plsc.VectorSubcoreMesh(core_axis_name="c", subcore_axis_name="s")

    @functools.partial(
        pl.kernel,
        out_type=[
            jax.ShapeDtypeStruct((_NC, 8, k), jnp.float32),
            jax.ShapeDtypeStruct((k,), jnp.int32),
        ],
        mesh=mesh,
        compiler_params=pltpu.CompilerParams(needs_layout_passes=False),
        scratch_types=[
            pltpu.VMEM((2, epad), jnp.int32),
            pltpu.VMEM((n,), jnp.int32),
            pltpu.VMEM((kp,), jnp.int32),
            pltpu.VMEM((chunks, 128), jnp.int32),
            pltpu.VMEM((128,), jnp.float32),
            pltpu.VMEM((8, 128), jnp.int32),
            pltpu.VMEM((8, 128), jnp.float32),
            pltpu.VMEM((kp,), jnp.int32),
            pltpu.VMEM((zslice,), jnp.float32),
            pltpu.VMEM_SHARED((cntp,), jnp.float32),
            pltpu.SemaphoreType.DMA,
            pltpu.SemaphoreType.DMA,
            pltpu.SemaphoreType.DMA,
        ],
    )
    def hist(edge_hbm, nt_hbm, oi_hbm, cnt_out, ty_out,
             e2_v, nt_v, oi_v, idx_e, ones_v, idxg, stg, stgt, zb,
             counts_sh, sem_in, sem_sc, sem_g):
        cid = lax.axis_index("c")
        sid = lax.axis_index("s")
        wid = cid * _NS + sid

        zeros16f = jnp.zeros((_L,), jnp.float32)
        ones16f = jnp.ones((_L,), jnp.float32)
        zeros16i = jnp.zeros((_L,), jnp.int32)
        dump16 = jnp.full((_L,), dump, jnp.int32)
        iota = lax.iota(jnp.int32, _L)

        col0 = pl.multiple_of(wid * main_e, 128)
        cp_edge = pltpu.async_copy(edge_hbm.at[:, pl.ds(col0, main_e)],
                                   e2_v.at[:, pl.ds(0, main_e)], sem_in)
        cp_nt = pltpu.async_copy(nt_hbm, nt_v, sem_in)
        cp_oi = pltpu.async_copy(oi_hbm.at[pl.ds(sid * kp, kp)], oi_v, sem_in)

        def zb_body(i, _):
            zb[pl.ds(i * _L, _L)] = zeros16f
            return 0
        lax.fori_loop(0, zslice // _L, zb_body, 0)
        pltpu.sync_copy(zb, counts_sh.at[pl.ds(sid * zslice, zslice)])

        for u in range(128 // _L):
            ones_v[pl.ds(u * _L, _L)] = ones16f

        if extra:
            for r in range(2):
                for u in range(128 // _L):
                    e2_v[r, pl.ds(main_e + u * _L, _L)] = zeros16i

            @pl.when(wid < extra)
            def _():
                tcol = pl.multiple_of((nw * base_rows + wid) * 128, 128)
                pltpu.sync_copy(edge_hbm.at[:, pl.ds(tcol, 128)],
                                e2_v.at[:, pl.ds(main_e, 128)])

        cp_edge.wait()
        cp_nt.wait()
        cp_oi.wait()

        plsc.subcore_barrier()

        DEPTH = 16

        def fire(c):
            pltpu.async_copy(ones_v, counts_sh.at[idx_e.at[c]], sem_sc,
                             add=True)

        def drain(c):
            pltpu.make_async_copy(ones_v, counts_sh.at[idx_e.at[c]],
                                  sem_sc).wait()

        def chunk_body(c, _):
            for u in range(128 // _L):
                base = c * 128 + u * _L
                s = e2_v[0, pl.ds(base, _L)]
                d = e2_v[1, pl.ds(base, _L)]
                t = plsc.load_gather(nt_v, [s])
                idx_e[c, pl.ds(u * _L, _L)] = d * 3 + t
            fire(c)

            @pl.when(c >= DEPTH)
            def _():
                drain(c - DEPTH)
            return 0
        lax.fori_loop(0, base_rows, chunk_body, 0)
        if extra:
            c = base_rows
            m = (wid < extra).astype(jnp.int32)
            im = 1 - m
            for u in range(128 // _L):
                base = c * 128 + u * _L
                s = e2_v[0, pl.ds(base, _L)]
                d = e2_v[1, pl.ds(base, _L)]
                t = plsc.load_gather(nt_v, [s])
                idx_e[c, pl.ds(u * _L, _L)] = (d * 3 + t) * m + dump16 * im
            fire(c)

        def drain_body(c, _):
            drain(c)
            return 0
        lax.fori_loop(max(0, base_rows - DEPTH), chunks, drain_body, 0)

        plsc.subcore_barrier()

        for v in range(kp // _L):
            o = plsc.load_gather(oi_v, [iota + v * _L])
            t = plsc.load_gather(nt_v, [o])
            stgt[pl.ds(v * _L, _L)] = t
            o3 = o * 3
            for j in range(8):
                if j < 3:
                    idxg[j, pl.ds(v * _L, _L)] = o3 + j
                else:
                    idxg[j, pl.ds(v * _L, _L)] = dump16
        for j in range(8):
            pltpu.async_copy(counts_sh.at[idxg.at[j]], stg.at[j], sem_g)
        for j in range(8):
            pltpu.make_async_copy(counts_sh.at[idxg.at[j]], stg.at[j],
                                  sem_g).wait()
        pltpu.sync_copy(stg, cnt_out.at[cid, :, pl.ds(sid * kp, kp)])

        @pl.when(cid == 0)
        def _():
            pltpu.sync_copy(stgt, ty_out.at[pl.ds(sid * kp, kp)])

    return hist(edge_index, node_type, out_idx)


def _tc_readout(init_features, W_init, b_init, W_agg, W_self, b_gnn,
                W1, b1, W2, b2, W3, b3, cnt8, ty):
    k = ty.shape[0]
    h_dim = W_agg.shape[0]

    def body(if_ref, wi_ref, bi_ref, wa_ref, ws_ref, bg_ref,
             w1_ref, b1_ref, w2_ref, b2_ref, w3_ref, b3_ref,
             cnt_ref, ty_ref, out_ref):
        ce_rows = [if_ref[t:t + 1, :] @ wi_ref[t] + bi_ref[t:t + 1, :]
                   for t in range(3)]
        ce8 = jnp.concatenate(ce_rows + [jnp.zeros((5, h_dim), jnp.float32)],
                              axis=0)
        m8 = ce8 @ wa_ref[...]
        s8 = ce8 @ ws_ref[...] + bg_ref[...]
        cnt = cnt_ref[0] + cnt_ref[1]
        oh = (lax.broadcasted_iota(jnp.int32, (8, k), 0)
              == ty_ref[...][None, :]).astype(jnp.float32)
        x = jnp.concatenate([cnt, oh], axis=0)
        w0 = jnp.concatenate([m8, s8], axis=0)
        h = lax.dot_general(x, w0, (((0,), (0,)), ((), ())),
                            precision=lax.Precision.HIGHEST,
                            preferred_element_type=jnp.float32)
        h = jnp.maximum(h, 0.0)
        h = jnp.maximum(h @ w1_ref[...] + b1_ref[...], 0.0)
        h = jnp.maximum(h @ w2_ref[...] + b2_ref[...], 0.0)
        z = lax.dot_general(w3_ref[...], h, (((0,), (1,)), ((), ())),
                            preferred_element_type=jnp.float32)
        out_ref[...] = jax.nn.sigmoid(z + b3_ref[...])

    return pl.pallas_call(
        body,
        out_shape=jax.ShapeDtypeStruct((1, k), jnp.float32),
    )(init_features, W_init, b_init, W_agg, W_self,
      b_gnn.reshape(1, h_dim), W1, b1.reshape(1, h_dim), W2,
      b2.reshape(1, h_dim), W3, b3.reshape(1, 1), cnt8, ty)


def kernel(init_features, W_init, b_init, W_agg, W_self, b_gnn,
           W1, b1, W2, b2, W3, b3, node_type, edge_index, out_idx):
    k = out_idx.shape[0]
    nt = node_type.astype(jnp.int32)
    ei = edge_index.astype(jnp.int32)
    oi = out_idx.astype(jnp.int32)
    cnt, ty = _sc_hist_gather(ei, nt, oi)
    out2d = _tc_readout(init_features.astype(jnp.float32),
                        W_init.astype(jnp.float32),
                        b_init.astype(jnp.float32),
                        W_agg.astype(jnp.float32),
                        W_self.astype(jnp.float32),
                        b_gnn.astype(jnp.float32),
                        W1.astype(jnp.float32), b1.astype(jnp.float32),
                        W2.astype(jnp.float32), b2.astype(jnp.float32),
                        W3.astype(jnp.float32), b3.astype(jnp.float32),
                        cnt, ty)
    return out2d.reshape(k)

# --- scband reference (transcript-rebuilt; emitter-appended) ---
"""Pipeline reference for scband-aigwrapper-27144193311185 (READ-ONLY COPY).

The authoritative reference and input builder live on the scoring server;
editing this copy changes nothing except your own understanding.
"""

import jax, jax.numpy as jnp
import numpy as np

N = 10000
E = 320000
H = 128
K = 2048


def setup_inputs(seed: int = 0) -> dict:
    key = jax.random.key(seed)
    ks = jax.random.split(key, 14)
    node_type = jax.random.randint(ks[0], (N,), 0, 3)
    edge_index = jax.random.randint(ks[1], (2, E), 0, N)
    out_idx = jax.random.randint(ks[2], (K,), 0, N)
    s = 1.0 / np.sqrt(H)
    init_features = jax.random.normal(ks[3], (3, H), dtype=jnp.float32)
    W_init = jax.random.normal(ks[4], (3, H, H), dtype=jnp.float32) * s
    b_init = jnp.zeros((3, H), dtype=jnp.float32)
    W_agg = jax.random.normal(ks[5], (H, H), dtype=jnp.float32) * s
    W_self = jax.random.normal(ks[6], (H, H), dtype=jnp.float32) * s
    b_gnn = jnp.zeros((H,), dtype=jnp.float32)
    W1 = jax.random.normal(ks[7], (H, H), dtype=jnp.float32) * s
    b1 = jnp.zeros((H,), dtype=jnp.float32)
    W2 = jax.random.normal(ks[8], (H, H), dtype=jnp.float32) * s
    b2 = jnp.zeros((H,), dtype=jnp.float32)
    W3 = jax.random.normal(ks[9], (H, 1), dtype=jnp.float32) * s
    b3 = jnp.zeros((1,), dtype=jnp.float32)
    return {
        'init_features': init_features, 'W_init': W_init, 'b_init': b_init,
        'W_agg': W_agg, 'W_self': W_self, 'b_gnn': b_gnn,
        'W1': W1, 'b1': b1, 'W2': W2, 'b2': b2, 'W3': W3, 'b3': b3,
        'node_type': node_type, 'edge_index': edge_index, 'out_idx': out_idx,
    }


def reference(init_features, W_init, b_init, W_agg, W_self, b_gnn,
              W1, b1, W2, b2, W3, b3, node_type, edge_index, out_idx):
    n = node_type.shape[0]
    # get_init_embedding: per-node-type linear on learned init feature,
    # scattered (overwrite) into a zero-initialized node embedding table.
    class_emb = jnp.einsum('th,thk->tk', init_features, W_init) + b_init  # [3, H]
    node_embedding = jnp.zeros((n, H), dtype=class_emb.dtype)
    for i in range(3):
        mask = (node_type == i)[:, None]
        node_embedding = jnp.where(mask, class_emb[i], node_embedding)
    # DeepSAT body (stand-in): one round of gather -> transform -> scatter-add
    # message passing over the AIG edges.
    src = edge_index[0]
    dst = edge_index[1]
    msgs = node_embedding[src] @ W_agg                      # gather + matmul
    agg = jnp.zeros((n, H), dtype=msgs.dtype).at[dst].add(msgs)  # scatter-add
    node_embedding = jax.nn.relu(agg + node_embedding @ W_self + b_gnn)
    # graph_pooling: gather output nodes, MLP readout (num_fc=3), sigmoid
    h = node_embedding[out_idx]
    h = jax.nn.relu(h @ W1 + b1)
    h = jax.nn.relu(h @ W2 + b2)
    out = (h @ W3 + b3).squeeze(-1)
    return jax.nn.sigmoid(out)

if __name__ == "__main__":
    import jax
    _d = setup_inputs()
    print(jax.jit(kernel)(*tuple(_d.values())))

</pallas_src>

<mosaic_0001>
#map = affine_map<(d0, d1) -> (0, 0)>
#map1 = affine_map<(d0, d1) -> (0)>
#map2 = affine_map<(d0, d1) -> (0, 0, 0)>
module attributes {stable_mosaic.version = 14 : i64} {
  func.func @hist(%arg0: i32, %arg1: i32, %arg2: memref<2x320000xi32, #tpu.memory_space<hbm>>, %arg3: memref<10000xi32, #tpu.memory_space<hbm>>, %arg4: memref<2048xi32, #tpu.memory_space<hbm>>, %arg5: memref<2x8x2048xf32, #tpu.memory_space<hbm>>, %arg6: memref<2048xi32, #tpu.memory_space<hbm>>, %arg7: memref<2x10112xi32, #tpu.memory_space<vmem>>, %arg8: memref<10000xi32, #tpu.memory_space<vmem>>, %arg9: memref<128xi32, #tpu.memory_space<vmem>>, %arg10: memref<79x128xi32, #tpu.memory_space<vmem>>, %arg11: memref<128xf32, #tpu.memory_space<vmem>>, %arg12: memref<8x128xi32, #tpu.memory_space<vmem>>, %arg13: memref<8x128xf32, #tpu.memory_space<vmem>>, %arg14: memref<128xi32, #tpu.memory_space<vmem>>, %arg15: memref<1888xf32, #tpu.memory_space<vmem>>, %arg16: memref<30208xf32, #tpu.memory_space<vmem_shared>>, %arg17: memref<!tpu.dma_semaphore, #tpu.memory_space<semaphore_mem>>, %arg18: memref<!tpu.dma_semaphore, #tpu.memory_space<semaphore_mem>>, %arg19: memref<!tpu.dma_semaphore, #tpu.memory_space<semaphore_mem>>) attributes {dimension_semantics = [#tpu.dimension_semantics<core_parallel>, #tpu.dimension_semantics<subcore_parallel>], iteration_bounds = array<i64: 2, 16>, scalar_prefetch = 0 : i64, scratch_operands = 13 : i64, tpu.core_type = #tpu.core_type<sc_vector_subcore>, window_params = [{transform_indices = #map}, {transform_indices = #map1}, {transform_indices = #map1}, {transform_indices = #map2}, {transform_indices = #map1}]} {
    %mul3A = arith.constant 16 : i32
    %mul3A_0 = arith.muli %arg0, %mul3A : i32
    %add3A = arith.addi %mul3A_0, %arg1 : i32
    %broadcast_in_dim3A = arith.constant 0.000000e+00 : f32
    %broadcast_in_dim3A_1 = vector.broadcast %broadcast_in_dim3A : f32 to vector<16xf32>
    %broadcast_in_dim3A_2 = arith.constant 1.000000e+00 : f32
    %broadcast_in_dim3A_3 = vector.broadcast %broadcast_in_dim3A_2 : f32 to vector<16xf32>
    %broadcast_in_dim3A_4 = arith.constant 0 : i32
    %broadcast_in_dim3A_5 = vector.broadcast %broadcast_in_dim3A_4 : i32 to vector<16xi32>
    %broadcast_in_dim3A_6 = arith.constant 30000 : i32
    %broadcast_in_dim3A_7 = vector.broadcast %broadcast_in_dim3A_6 : i32 to vector<16xi32>
    %iota3A = tpu.iota {dimensions = array<i32: 0>} : vector<16xi32>
    %mul3A_8 = arith.constant 9984 : i32
    %mul3A_9 = arith.muli %add3A, %mul3A_8 : i32
    %multiple_of3A = tpu.assume_multiple %mul3A_9, 128 : i32
    %dma_start3A = arith.constant 0 : i32
    %dma_start3A_10 = arith.constant 0 : i32
    %dma_start3A_11 = tpu.memref_slice %arg7[%dma_start3A, %dma_start3A_10] : memref<2x10112xi32, #tpu.memory_space<vmem>> -> memref<2x9984xi32, #tpu.memory_space<vmem>>
    %dma_start3A_12 = arith.constant 0 : i32
    %dma_start3A_13 = tpu.memref_slice %arg2[%dma_start3A_12, %multiple_of3A] : memref<2x320000xi32, #tpu.memory_space<hbm>> -> memref<2x9984xi32, #tpu.memory_space<hbm>>
    %dma_start3A_14 = arith.constant 0 : i32
    %dma_start3A_15 = arith.constant 0 : i32
    %dma_start3A_16 = tpu.memref_slice %arg7[%dma_start3A_14, %dma_start3A_15] : memref<2x10112xi32, #tpu.memory_space<vmem>> -> memref<2x9984xi32, #tpu.memory_space<vmem>>
    %dma_start3A_17 = arith.constant 0 : i32
    %dma_start3A_18 = tpu.memref_slice %arg2[%dma_start3A_17, %multiple_of3A] : memref<2x320000xi32, #tpu.memory_space<hbm>> -> memref<2x9984xi32, #tpu.memory_space<hbm>>
    tpu.enqueue_dma source(%dma_start3A_18 : memref<2x9984xi32, #tpu.memory_space<hbm>>) target(%dma_start3A_16 : memref<2x9984xi32, #tpu.memory_space<vmem>>) target_semaphore(%arg17 : memref<!tpu.dma_semaphore, #tpu.memory_space<semaphore_mem>>)
    tpu.enqueue_dma source(%arg3 : memref<10000xi32, #tpu.memory_space<hbm>>) target(%arg8 : memref<10000xi32, #tpu.memory_space<vmem>>) target_semaphore(%arg17 : memref<!tpu.dma_semaphore, #tpu.memory_space<semaphore_mem>>)
    %mul3A_19 = arith.constant 128 : i32
    %mul3A_20 = arith.muli %arg1, %mul3A_19 : i32
    %dma_start3A_21 = tpu.memref_slice %arg4[%mul3A_20] : memref<2048xi32, #tpu.memory_space<hbm>> -> memref<128xi32, #tpu.memory_space<hbm>>
    %dma_start3A_22 = tpu.memref_slice %arg4[%mul3A_20] : memref<2048xi32, #tpu.memory_space<hbm>> -> memref<128xi32, #tpu.memory_space<hbm>>
    tpu.enqueue_dma source(%dma_start3A_22 : memref<128xi32, #tpu.memory_space<hbm>>) target(%arg9 : memref<128xi32, #tpu.memory_space<vmem>>) target_semaphore(%arg17 : memref<!tpu.dma_semaphore, #tpu.memory_space<semaphore_mem>>)
    %scan3A = arith.constant 0 : i32
    %scan3A_23 = arith.constant 0 : i32
    %scan3A_24 = arith.constant 118 : i32
    %scan3A_25 = arith.addi %scan3A_23, %scan3A_24 : i32
    %scan3A_26 = arith.constant 1 : i32
    %scan3A_27 = scf.for %scan3A_896 = %scan3A_23 to %scan3A_25 step %scan3A_26 iter_args(%scan3A_897 = %scan3A) -> (i32)  : i32 {
      %mul3A_898 = arith.constant 16 : i32
      %mul3A_899 = arith.muli %scan3A_896, %mul3A_898 : i32
      %swap3A_900 = arith.index_cast %mul3A_899 : i32 to index
      %swap3A_901 = tpu.vector_load %arg15[%swap3A_900] {strides = array<i32>} : memref<1888xf32, #tpu.memory_space<vmem>>, vector<16xf32>,
      tpu.vector_store %arg15[%swap3A_900], %broadcast_in_dim3A_1 {strides = array<i32>} : memref<1888xf32, #tpu.memory_space<vmem>>, vector<16xf32>,
      %scan3A_902 = arith.constant 0 : i32
      scf.yield %scan3A_902 : i32
    }
    %scan3A_28 = arith.constant 118 : i32
    %mul3A_29 = arith.constant 1888 : i32
    %mul3A_30 = arith.muli %arg1, %mul3A_29 : i32
    "tpu.region"() ({
      %run_scoped3A = tpu.sem_alloc : memref<!tpu.dma_semaphore, #tpu.memory_space<semaphore_mem>>
      %dma_start3A_896 = tpu.memref_slice %arg16[%mul3A_30] : memref<30208xf32, #tpu.memory_space<vmem_shared>> -> memref<1888xf32, #tpu.memory_space<vmem_shared>>
      %dma_start3A_897 = tpu.memref_slice %arg16[%mul3A_30] : memref<30208xf32, #tpu.memory_space<vmem_shared>> -> memref<1888xf32, #tpu.memory_space<vmem_shared>>
      tpu.enqueue_dma source(%arg15 : memref<1888xf32, #tpu.memory_space<vmem>>) target(%dma_start3A_897 : memref<1888xf32, #tpu.memory_space<vmem_shared>>) target_semaphore(%run_scoped3A : memref<!tpu.dma_semaphore, #tpu.memory_space<semaphore_mem>>)
      %dma_wait3A_898 = tpu.memref_slice %arg16[%mul3A_30] : memref<30208xf32, #tpu.memory_space<vmem_shared>> -> memref<1888xf32, #tpu.memory_space<vmem_shared>>
      %dma_wait3A_899 = tpu.memref_slice %arg16[%mul3A_30] : memref<30208xf32, #tpu.memory_space<vmem_shared>> -> memref<1888xf32, #tpu.memory_space<vmem_shared>>
      tpu.wait_dma2 semaphore(%run_scoped3A : memref<!tpu.dma_semaphore, #tpu.memory_space<semaphore_mem>>) src(%arg15 : memref<1888xf32, #tpu.memory_space<vmem>>) dst(%dma_wait3A_899 : memref<1888xf32, #tpu.memory_space<vmem_shared>>)
      tpu.yield
    }) : () -> ()
    %swap3A = arith.constant 0 : index
    %swap3A_31 = tpu.vector_load %arg11[%swap3A] {strides = array<i32>} : memref<128xf32, #tpu.memory_space<vmem>>, vector<16xf32>,
    tpu.vector_store %arg11[%swap3A], %broadcast_in_dim3A_3 {strides = array<i32>} : memref<128xf32, #tpu.memory_space<vmem>>, vector<16xf32>,
    %swap3A_32 = arith.constant 16 : index
    %swap3A_33 = tpu.vector_load %arg11[%swap3A_32] {strides = array<i32>} : memref<128xf32, #tpu.memory_space<vmem>>, vector<16xf32>,
    tpu.vector_store %arg11[%swap3A_32], %broadcast_in_dim3A_3 {strides = array<i32>} : memref<128xf32, #tpu.memory_space<vmem>>, vector<16xf32>,
    %swap3A_34 = arith.constant 32 : index
    %swap3A_35 = tpu.vector_load %arg11[%swap3A_34] {strides = array<i32>} : memref<128xf32, #tpu.memory_space<vmem>>, vector<16xf32>,
    tpu.vector_store %arg11[%swap3A_34], %broadcast_in_dim3A_3 {strides = array<i32>} : memref<128xf32, #tpu.memory_space<vmem>>, vector<16xf32>,
    %swap3A_36 = arith.constant 48 : index
    %swap3A_37 = tpu.vector_load %arg11[%swap3A_36] {strides = array<i32>} : memref<128xf32, #tpu.memory_space<vmem>>, vector<16xf32>,
    tpu.vector_store %arg11[%swap3A_36], %broadcast_in_dim3A_3 {strides = array<i32>} : memref<128xf32, #tpu.memory_space<vmem>>, vector<16xf32>,
    %swap3A_38 = arith.constant 64 : index
    %swap3A_39 = tpu.vector_load %arg11[%swap3A_38] {strides = array<i32>} : memref<128xf32, #tpu.memory_space<vmem>>, vector<16xf32>,
    tpu.vector_store %arg11[%swap3A_38], %broadcast_in_dim3A_3 {strides = array<i32>} : memref<128xf32, #tpu.memory_space<vmem>>, vector<16xf32>,
    %swap3A_40 = arith.constant 80 : index
    %swap3A_41 = tpu.vector_load %arg11[%swap3A_40] {strides = array<i32>} : memref<128xf32, #tpu.memory_space<vmem>>, vector<16xf32>,
    tpu.vector_store %arg11[%swap3A_40], %broadcast_in_dim3A_3 {strides = array<i32>} : memref<128xf32, #tpu.memory_space<vmem>>, vector<16xf32>,
    %swap3A_42 = arith.constant 96 : index
    %swap3A_43 = tpu.vector_load %arg11[%swap3A_42] {strides = array<i32>} : memref<128xf32, #tpu.memory_space<vmem>>, vector<16xf32>,
    tpu.vector_store %arg11[%swap3A_42], %broadcast_in_dim3A_3 {strides = array<i32>} : memref<128xf32, #tpu.memory_space<vmem>>, vector<16xf32>,
    %swap3A_44 = arith.constant 112 : index
    %swap3A_45 = tpu.vector_load %arg11[%swap3A_44] {strides = array<i32>} : memref<128xf32, #tpu.memory_space<vmem>>, vector<16xf32>,
    tpu.vector_store %arg11[%swap3A_44], %broadcast_in_dim3A_3 {strides = array<i32>} : memref<128xf32, #tpu.memory_space<vmem>>, vector<16xf32>,
    %swap3A_46 = arith.constant 0 : i32
    %swap3A_47 = arith.index_cast %swap3A_46 : i32 to index
    %swap3A_48 = arith.constant 9984 : index
    %swap3A_49 = tpu.vector_load %arg7[%swap3A_47, %swap3A_48] {strides = array<i32>} : memref<2x10112xi32, #tpu.memory_space<vmem>>, vector<16xi32>,
    tpu.vector_store %arg7[%swap3A_47, %swap3A_48], %broadcast_in_dim3A_5 {strides = array<i32>} : memref<2x10112xi32, #tpu.memory_space<vmem>>, vector<16xi32>,
    %swap3A_50 = arith.constant 0 : i32
    %swap3A_51 = arith.index_cast %swap3A_50 : i32 to index
    %swap3A_52 = arith.constant 10000 : index
    %swap3A_53 = tpu.vector_load %arg7[%swap3A_51, %swap3A_52] {strides = array<i32>} : memref<2x10112xi32, #tpu.memory_space<vmem>>, vector<16xi32>,
    tpu.vector_store %arg7[%swap3A_51, %swap3A_52], %broadcast_in_dim3A_5 {strides = array<i32>} : memref<2x10112xi32, #tpu.memory_space<vmem>>, vector<16xi32>,
    %swap3A_54 = arith.constant 0 : i32
    %swap3A_55 = arith.index_cast %swap3A_54 : i32 to index
    %swap3A_56 = arith.constant 10016 : index
    %swap3A_57 = tpu.vector_load %arg7[%swap3A_55, %swap3A_56] {strides = array<i32>} : memref<2x10112xi32, #tpu.memory_space<vmem>>, vector<16xi32>,
    tpu.vector_store %arg7[%swap3A_55, %swap3A_56], %broadcast_in_dim3A_5 {strides = array<i32>} : memref<2x10112xi32, #tpu.memory_space<vmem>>, vector<16xi32>,
    %swap3A_58 = arith.constant 0 : i32
    %swap3A_59 = arith.index_cast %swap3A_58 : i32 to index
    %swap3A_60 = arith.constant 10032 : index
    %swap3A_61 = tpu.vector_load %arg7[%swap3A_59, %swap3A_60] {strides = array<i32>} : memref<2x10112xi32, #tpu.memory_space<vmem>>, vector<16xi32>,
    tpu.vector_store %arg7[%swap3A_59, %swap3A_60], %broadcast_in_dim3A_5 {strides = array<i32>} : memref<2x10112xi32, #tpu.memory_space<vmem>>, vector<16xi32>,
    %swap3A_62 = arith.constant 0 : i32
    %swap3A_63 = arith.index_cast %swap3A_62 : i32 to index
    %swap3A_64 = arith.constant 10048 : index
    %swap3A_65 = tpu.vector_load %arg7[%swap3A_63, %swap3A_64] {strides = array<i32>} : memref<2x10112xi32, #tpu.memory_space<vmem>>, vector<16xi32>,
    tpu.vector_store %arg7[%swap3A_63, %swap3A_64], %broadcast_in_dim3A_5 {strides = array<i32>} : memref<2x10112xi32, #tpu.memory_space<vmem>>, vector<16xi32>,
    %swap3A_66 = arith.constant 0 : i32
    %swap3A_67 = arith.index_cast %swap3A_66 : i32 to index
    %swap3A_68 = arith.constant 10064 : index
    %swap3A_69 = tpu.vector_load %arg7[%swap3A_67, %swap3A_68] {strides = array<i32>} : memref<2x10112xi32, #tpu.memory_space<vmem>>, vector<16xi32>,
    tpu.vector_store %arg7[%swap3A_67, %swap3A_68], %broadcast_in_dim3A_5 {strides = array<i32>} : memref<2x10112xi32, #tpu.memory_space<vmem>>, vector<16xi32>,
    %swap3A_70 = arith.constant 0 : i32
    %swap3A_71 = arith.index_cast %swap3A_70 : i32 to index
    %swap3A_72 = arith.constant 10080 : index
    %swap3A_73 = tpu.vector_load %arg7[%swap3A_71, %swap3A_72] {strides = array<i32>} : memref<2x10112xi32, #tpu.memory_space<vmem>>, vector<16xi32>,
    tpu.vector_store %arg7[%swap3A_71, %swap3A_72], %broadcast_in_dim3A_5 {strides = array<i32>} : memref<2x10112xi32, #tpu.memory_space<vmem>>, vector<16xi32>,
    %swap3A_74 = arith.constant 0 : i32
    %swap3A_75 = arith.index_cast %swap3A_74 : i32 to index
    %swap3A_76 = arith.constant 10096 : index
    %swap3A_77 = tpu.vector_load %arg7[%swap3A_75, %swap3A_76] {strides = array<i32>} : memref<2x10112xi32, #tpu.memory_space<vmem>>, vector<16xi32>,
    tpu.vector_store %arg7[%swap3A_75, %swap3A_76], %broadcast_in_dim3A_5 {strides = array<i32>} : memref<2x10112xi32, #tpu.memory_space<vmem>>, vector<16xi32>,
    %swap3A_78 = arith.constant 1 : i32
    %swap3A_79 = arith.index_cast %swap3A_78 : i32 to index
    %swap3A_80 = arith.constant 9984 : index
    %swap3A_81 = tpu.vector_load %arg7[%swap3A_79, %swap3A_80] {strides = array<i32>} : memref<2x10112xi32, #tpu.memory_space<vmem>>, vector<16xi32>,
    tpu.vector_store %arg7[%swap3A_79, %swap3A_80], %broadcast_in_dim3A_5 {strides = array<i32>} : memref<2x10112xi32, #tpu.memory_space<vmem>>, vector<16xi32>,
    %swap3A_82 = arith.constant 1 : i32
    %swap3A_83 = arith.index_cast %swap3A_82 : i32 to index
    %swap3A_84 = arith.constant 10000 : index
    %swap3A_85 = tpu.vector_load %arg7[%swap3A_83, %swap3A_84] {strides = array<i32>} : memref<2x10112xi32, #tpu.memory_space<vmem>>, vector<16xi32>,
    tpu.vector_store %arg7[%swap3A_83, %swap3A_84], %broadcast_in_dim3A_5 {strides = array<i32>} : memref<2x10112xi32, #tpu.memory_space<vmem>>, vector<16xi32>,
    %swap3A_86 = arith.constant 1 : i32
    %swap3A_87 = arith.index_cast %swap3A_86 : i32 to index
    %swap3A_88 = arith.constant 10016 : index
    %swap3A_89 = tpu.vector_load %arg7[%swap3A_87, %swap3A_88] {strides = array<i32>} : memref<2x10112xi32, #tpu.memory_space<vmem>>, vector<16xi32>,
    tpu.vector_store %arg7[%swap3A_87, %swap3A_88], %broadcast_in_dim3A_5 {strides = array<i32>} : memref<2x10112xi32, #tpu.memory_space<vmem>>, vector<16xi32>,
    %swap3A_90 = arith.constant 1 : i32
    %swap3A_91 = arith.index_cast %swap3A_90 : i32 to index
    %swap3A_92 = arith.constant 10032 : index
    %swap3A_93 = tpu.vector_load %arg7[%swap3A_91, %swap3A_92] {strides = array<i32>} : memref<2x10112xi32, #tpu.memory_space<vmem>>, vector<16xi32>,
    tpu.vector_store %arg7[%swap3A_91, %swap3A_92], %broadcast_in_dim3A_5 {strides = array<i32>} : memref<2x10112xi32, #tpu.memory_space<vmem>>, vector<16xi32>,
    %swap3A_94 = arith.constant 1 : i32
    %swap3A_95 = arith.index_cast %swap3A_94 : i32 to index
    %swap3A_96 = arith.constant 10048 : index
    %swap3A_97 = tpu.vector_load %arg7[%swap3A_95, %swap3A_96] {strides = array<i32>} : memref<2x10112xi32, #tpu.memory_space<vmem>>, vector<16xi32>,
    tpu.vector_store %arg7[%swap3A_95, %swap3A_96], %broadcast_in_dim3A_5 {strides = array<i32>} : memref<2x10112xi32, #tpu.memory_space<vmem>>, vector<16xi32>,
    %swap3A_98 = arith.constant 1 : i32
    %swap3A_99 = arith.index_cast %swap3A_98 : i32 to index
    %swap3A_100 = arith.constant 10064 : index
    %swap3A_101 = tpu.vector_load %arg7[%swap3A_99, %swap3A_100] {strides = array<i32>} : memref<2x10112xi32, #tpu.memory_space<vmem>>, vector<16xi32>,
    tpu.vector_store %arg7[%swap3A_99, %swap3A_100], %broadcast_in_dim3A_5 {strides = array<i32>} : memref<2x10112xi32, #tpu.memory_space<vmem>>, vector<16xi32>,
    %swap3A_102 = arith.constant 1 : i32
    %swap3A_103 = arith.index_cast %swap3A_102 : i32 to index
    %swap3A_104 = arith.constant 10080 : index
    %swap3A_105 = tpu.vector_load %arg7[%swap3A_103, %swap3A_104] {strides = array<i32>} : memref<2x10112xi32, #tpu.memory_space<vmem>>, vector<16xi32>,
    tpu.vector_store %arg7[%swap3A_103, %swap3A_104], %broadcast_in_dim3A_5 {strides = array<i32>} : memref<2x10112xi32, #tpu.memory_space<vmem>>, vector<16xi32>,
    %swap3A_106 = arith.constant 1 : i32
    %swap3A_107 = arith.index_cast %swap3A_106 : i32 to index
    %swap3A_108 = arith.constant 10096 : index
    %swap3A_109 = tpu.vector_load %arg7[%swap3A_107, %swap3A_108] {strides = array<i32>} : memref<2x10112xi32, #tpu.memory_space<vmem>>, vector<16xi32>,
    tpu.vector_store %arg7[%swap3A_107, %swap3A_108], %broadcast_in_dim3A_5 {strides = array<i32>} : memref<2x10112xi32, #tpu.memory_space<vmem>>, vector<16xi32>,
    %lt3A = arith.constant 4 : i32
    %lt3A_110 = arith.cmpi slt, %add3A, %lt3A : i32
    %convert_element_type3A = arith.extui %lt3A_110 : i1 to i32
    %cond3A = arith.constant 0 : i32
    %cond3A_111 = arith.cmpi ne, %convert_element_type3A, %cond3A : i32
    scf.if %cond3A_111 {
      %add3A_896 = arith.constant 2496 : i32
      %add3A_897 = arith.addi %add3A_896, %add3A : i32
      %mul3A_898 = arith.constant 128 : i32
      %mul3A_899 = arith.muli %add3A_897, %mul3A_898 : i32
      %multiple_of3A_900 = tpu.assume_multiple %mul3A_899, 128 : i32
      "tpu.region"() ({
        %run_scoped3A = tpu.sem_alloc : memref<!tpu.dma_semaphore, #tpu.memory_space<semaphore_mem>>
        %dma_start3A_901 = arith.constant 0 : i32
        %dma_start3A_902 = arith.constant 9984 : i32
        %dma_start3A_903 = tpu.memref_slice %arg7[%dma_start3A_901, %dma_start3A_902] : memref<2x10112xi32, #tpu.memory_space<vmem>> -> memref<2x128xi32, #tpu.memory_space<vmem>>
        %dma_start3A_904 = arith.constant 0 : i32
        %dma_start3A_905 = tpu.memref_slice %arg2[%dma_start3A_904, %multiple_of3A_900] : memref<2x320000xi32, #tpu.memory_space<hbm>> -> memref<2x128xi32, #tpu.memory_space<hbm>>
        %dma_start3A_906 = arith.constant 0 : i32
        %dma_start3A_907 = arith.constant 9984 : i32
        %dma_start3A_908 = tpu.memref_slice %arg7[%dma_start3A_906, %dma_start3A_907] : memref<2x10112xi32, #tpu.memory_space<vmem>> -> memref<2x128xi32, #tpu.memory_space<vmem>>
        %dma_start3A_909 = arith.constant 0 : i32
        %dma_start3A_910 = tpu.memref_slice %arg2[%dma_start3A_909, %multiple_of3A_900] : memref<2x320000xi32, #tpu.memory_space<hbm>> -> memref<2x128xi32, #tpu.memory_space<hbm>>
        tpu.enqueue_dma source(%dma_start3A_910 : memref<2x128xi32, #tpu.memory_space<hbm>>) target(%dma_start3A_908 : memref<2x128xi32, #tpu.memory_space<vmem>>) target_semaphore(%run_scoped3A : memref<!tpu.dma_semaphore, #tpu.memory_space<semaphore_mem>>)
        %dma_wait3A_911 = arith.constant 0 : i32
        %dma_wait3A_912 = arith.constant 9984 : i32
        %dma_wait3A_913 = tpu.memref_slice %arg7[%dma_wait3A_911, %dma_wait3A_912] : memref<2x10112xi32, #tpu.memory_space<vmem>> -> memref<2x128xi32, #tpu.memory_space<vmem>>
        %dma_wait3A_914 = arith.constant 0 : i32
        %dma_wait3A_915 = tpu.memref_slice %arg2[%dma_wait3A_914, %multiple_of3A_900] : memref<2x320000xi32, #tpu.memory_space<hbm>> -> memref<2x128xi32, #tpu.memory_space<hbm>>
        %dma_wait3A_916 = arith.constant 0 : i32
        %dma_wait3A_917 = arith.constant 9984 : i32
        %dma_wait3A_918 = tpu.memref_slice %arg7[%dma_wait3A_916, %dma_wait3A_917] : memref<2x10112xi32, #tpu.memory_space<vmem>> -> memref<2x128xi32, #tpu.memory_space<vmem>>
        %dma_wait3A_919 = arith.constant 0 : i32
        %dma_wait3A_920 = tpu.memref_slice %arg2[%dma_wait3A_919, %multiple_of3A_900] : memref<2x320000xi32, #tpu.memory_space<hbm>> -> memref<2x128xi32, #tpu.memory_space<hbm>>
        tpu.wait_dma2 semaphore(%run_scoped3A : memref<!tpu.dma_semaphore, #tpu.memory_space<semaphore_mem>>) src(%dma_wait3A_920 : memref<2x128xi32, #tpu.memory_space<hbm>>) dst(%dma_wait3A_918 : memref<2x128xi32, #tpu.memory_space<vmem>>)
        tpu.yield
      }) : () -> ()
    } else {
    }
    %dma_wait3A = arith.constant 0 : i32
    %dma_wait3A_112 = arith.constant 0 : i32
    %dma_wait3A_113 = tpu.memref_slice %arg7[%dma_wait3A, %dma_wait3A_112] : memref<2x10112xi32, #tpu.memory_space<vmem>> -> memref<2x9984xi32, #tpu.memory_space<vmem>>
    %dma_wait3A_114 = arith.constant 0 : i32
    %dma_wait3A_115 = tpu.memref_slice %arg2[%dma_wait3A_114, %multiple_of3A] : memref<2x320000xi32, #tpu.memory_space<hbm>> -> memref<2x9984xi32, #tpu.memory_space<hbm>>
    %dma_wait3A_116 = arith.constant 0 : i32
    %dma_wait3A_117 = arith.constant 0 : i32
    %dma_wait3A_118 = tpu.memref_slice %arg7[%dma_wait3A_116, %dma_wait3A_117] : memref<2x10112xi32, #tpu.memory_space<vmem>> -> memref<2x9984xi32, #tpu.memory_space<vmem>>
    %dma_wait3A_119 = arith.constant 0 : i32
    %dma_wait3A_120 = tpu.memref_slice %arg2[%dma_wait3A_119, %multiple_of3A] : memref<2x320000xi32, #tpu.memory_space<hbm>> -> memref<2x9984xi32, #tpu.memory_space<hbm>>
    tpu.wait_dma2 semaphore(%arg17 : memref<!tpu.dma_semaphore, #tpu.memory_space<semaphore_mem>>) src(%dma_wait3A_120 : memref<2x9984xi32, #tpu.memory_space<hbm>>) dst(%dma_wait3A_118 : memref<2x9984xi32, #tpu.memory_space<vmem>>)
    tpu.wait_dma2 semaphore(%arg17 : memref<!tpu.dma_semaphore, #tpu.memory_space<semaphore_mem>>) src(%arg3 : memref<10000xi32, #tpu.memory_space<hbm>>) dst(%arg8 : memref<10000xi32, #tpu.memory_space<vmem>>)
    %dma_wait3A_121 = tpu.memref_slice %arg4[%mul3A_20] : memref<2048xi32, #tpu.memory_space<hbm>> -> memref<128xi32, #tpu.memory_space<hbm>>
    %dma_wait3A_122 = tpu.memref_slice %arg4[%mul3A_20] : memref<2048xi32, #tpu.memory_space<hbm>> -> memref<128xi32, #tpu.memory_space<hbm>>
    tpu.wait_dma2 semaphore(%arg17 : memref<!tpu.dma_semaphore, #tpu.memory_space<semaphore_mem>>) src(%dma_wait3A_122 : memref<128xi32, #tpu.memory_space<hbm>>) dst(%arg9 : memref<128xi32, #tpu.memory_space<vmem>>)
    %barrier3A = arith.constant 0 : index
    tpu.barrier barrier_id(%barrier3A)
    %scan3A_123 = arith.constant 0 : i32
    %scan3A_124 = arith.constant 0 : i32
    %scan3A_125 = arith.constant 78 : i32
    %scan3A_126 = arith.addi %scan3A_124, %scan3A_125 : i32
    %scan3A_127 = arith.constant 1 : i32
    %scan3A_128 = scf.for %scan3A_896 = %scan3A_124 to %scan3A_126 step %scan3A_127 iter_args(%scan3A_897 = %scan3A_123) -> (i32)  : i32 {
      %mul3A_898 = arith.constant 128 : i32
      %mul3A_899 = arith.muli %scan3A_896, %mul3A_898 : i32
      %add3A_900 = arith.constant 0 : i32
      %add3A_901 = arith.addi %mul3A_899, %add3A_900 : i32
      %get3A_902 = arith.constant 0 : i32
      %get3A_903 = arith.index_cast %get3A_902 : i32 to index
      %get3A_904 = arith.index_cast %add3A_901 : i32 to index
      %get3A_905 = tpu.vector_load %arg7[%get3A_903, %get3A_904] {strides = array<i32>} : memref<2x10112xi32, #tpu.memory_space<vmem>>, vector<16xi32>,
      %get3A_906 = arith.constant 1 : i32
      %get3A_907 = arith.index_cast %get3A_906 : i32 to index
      %get3A_908 = arith.index_cast %add3A_901 : i32 to index
      %get3A_909 = tpu.vector_load %arg7[%get3A_907, %get3A_908] {strides = array<i32>} : memref<2x10112xi32, #tpu.memory_space<vmem>>, vector<16xi32>,
      %gather3A_910 = tpu.vector_load_idx %arg8[%get3A_905] : memref<10000xi32, #tpu.memory_space<vmem>>[vector<16xi32>], vector<16xi32>,
      %mul3A_911 = arith.constant 3 : i32
      %mul3A_912 = vector.broadcast %mul3A_911 : i32 to vector<16xi32>
      %mul3A_913 = arith.muli %get3A_909, %mul3A_912 : vector<16xi32>
      %add3A_914 = arith.addi %mul3A_913, %gather3A_910 : vector<16xi32>
      %swap3A_915 = arith.index_cast %scan3A_896 : i32 to index
      %swap3A_916 = arith.constant 0 : index
      %swap3A_917 = tpu.vector_load %arg10[%swap3A_915, %swap3A_916] {strides = array<i32>} : memref<79x128xi32, #tpu.memory_space<vmem>>, vector<16xi32>,
      tpu.vector_store %arg10[%swap3A_915, %swap3A_916], %add3A_914 {strides = array<i32>} : memref<79x128xi32, #tpu.memory_space<vmem>>, vector<16xi32>,
      %mul3A_918 = arith.constant 128 : i32
      %mul3A_919 = arith.muli %scan3A_896, %mul3A_918 : i32
      %add3A_920 = arith.constant 16 : i32
      %add3A_921 = arith.addi %mul3A_919, %add3A_920 : i32
      %get3A_922 = arith.constant 0 : i32
      %get3A_923 = arith.index_cast %get3A_922 : i32 to index
      %get3A_924 = arith.index_cast %add3A_921 : i32 to index
      %get3A_925 = tpu.vector_load %arg7[%get3A_923, %get3A_924] {strides = array<i32>} : memref<2x10112xi32, #tpu.memory_space<vmem>>, vector<16xi32>,
      %get3A_926 = arith.constant 1 : i32
      %get3A_927 = arith.index_cast %get3A_926 : i32 to index
      %get3A_928 = arith.index_cast %add3A_921 : i32 to index
      %get3A_929 = tpu.vector_load %arg7[%get3A_927, %get3A_928] {strides = array<i32>} : memref<2x10112xi32, #tpu.memory_space<vmem>>, vector<16xi32>,
      %gather3A_930 = tpu.vector_load_idx %arg8[%get3A_925] : memref<10000xi32, #tpu.memory_space<vmem>>[vector<16xi32>], vector<16xi32>,
      %mul3A_931 = arith.constant 3 : i32
      %mul3A_932 = vector.broadcast %mul3A_931 : i32 to vector<16xi32>
      %mul3A_933 = arith.muli %get3A_929, %mul3A_932 : vector<16xi32>
      %add3A_934 = arith.addi %mul3A_933, %gather3A_930 : vector<16xi32>
      %swap3A_935 = arith.index_cast %scan3A_896 : i32 to index
      %swap3A_936 = arith.constant 16 : index
      %swap3A_937 = tpu.vector_load %arg10[%swap3A_935, %swap3A_936] {strides = array<i32>} : memref<79x128xi32, #tpu.memory_space<vmem>>, vector<16xi32>,
      tpu.vector_store %arg10[%swap3A_935, %swap3A_936], %add3A_934 {strides = array<i32>} : memref<79x128xi32, #tpu.memory_space<vmem>>, vector<16xi32>,
      %mul3A_938 = arith.constant 128 : i32
      %mul3A_939 = arith.muli %scan3A_896, %mul3A_938 : i32
      %add3A_940 = arith.constant 32 : i32
      %add3A_941 = arith.addi %mul3A_939, %add3A_940 : i32
      %get3A_942 = arith.constant 0 : i32
      %get3A_943 = arith.index_cast %get3A_942 : i32 to index
      %get3A_944 = arith.index_cast %add3A_941 : i32 to index
      %get3A_945 = tpu.vector_load %arg7[%get3A_943, %get3A_944] {strides = array<i32>} : memref<2x10112xi32, #tpu.memory_space<vmem>>, vector<16xi32>,
      %get3A_946 = arith.constant 1 : i32
      %get3A_947 = arith.index_cast %get3A_946 : i32 to index
      %get3A_948 = arith.index_cast %add3A_941 : i32 to index
      %get3A_949 = tpu.vector_load %arg7[%get3A_947, %get3A_948] {strides = array<i32>} : memref<2x10112xi32, #tpu.memory_space<vmem>>, vector<16xi32>,
      %gather3A_950 = tpu.vector_load_idx %arg8[%get3A_945] : memref<10000xi32, #tpu.memory_space<vmem>>[vector<16xi32>], vector<16xi32>,
      %mul3A_951 = arith.constant 3 : i32
      %mul3A_952 = vector.broadcast %mul3A_951 : i32 to vector<16xi32>
      %mul3A_953 = arith.muli %get3A_949, %mul3A_952 : vector<16xi32>
      %add3A_954 = arith.addi %mul3A_953, %gather3A_950 : vector<16xi32>
      %swap3A_955 = arith.index_cast %scan3A_896 : i32 to index
      %swap3A_956 = arith.constant 32 : index
      %swap3A_957 = tpu.vector_load %arg10[%swap3A_955, %swap3A_956] {strides = array<i32>} : memref<79x128xi32, #tpu.memory_space<vmem>>, vector<16xi32>,
      tpu.vector_store %arg10[%swap3A_955, %swap3A_956], %add3A_954 {strides = array<i32>} : memref<79x128xi32, #tpu.memory_space<vmem>>, vector<16xi32>,
      %mul3A_958 = arith.constant 128 : i32
      %mul3A_959 = arith.muli %scan3A_896, %mul3A_958 : i32
      %add3A_960 = arith.constant 48 : i32
      %add3A_961 = arith.addi %mul3A_959, %add3A_960 : i32
      %get3A_962 = arith.constant 0 : i32
      %get3A_963 = arith.index_cast %get3A_962 : i32 to index
      %get3A_964 = arith.index_cast %add3A_961 : i32 to index
      %get3A_965 = tpu.vector_load %arg7[%get3A_963, %get3A_964] {strides = array<i32>} : memref<2x10112xi32, #tpu.memory_space<vmem>>, vector<16xi32>,
      %get3A_966 = arith.constant 1 : i32
      %get3A_967 = arith.index_cast %get3A_966 : i32 to index
      %get3A_968 = arith.index_cast %add3A_961 : i32 to index
      %get3A_969 = tpu.vector_load %arg7[%get3A_967, %get3A_968] {strides = array<i32>} : memref<2x10112xi32, #tpu.memory_space<vmem>>, vector<16xi32>,
      %gather3A_970 = tpu.vector_load_idx %arg8[%get3A_965] : memref<10000xi32, #tpu.memory_space<vmem>>[vector<16xi32>], vector<16xi32>,
      %mul3A_971 = arith.constant 3 : i32
      %mul3A_972 = vector.broadcast %mul3A_971 : i32 to vector<16xi32>
      %mul3A_973 = arith.muli %get3A_969, %mul3A_972 : vector<16xi32>
      %add3A_974 = arith.addi %mul3A_973, %gather3A_970 : vector<16xi32>
      %swap3A_975 = arith.index_cast %scan3A_896 : i32 to index
      %swap3A_976 = arith.constant 48 : index
      %swap3A_977 = tpu.vector_load %arg10[%swap3A_975, %swap3A_976] {strides = array<i32>} : memref<79x128xi32, #tpu.memory_space<vmem>>, vector<16xi32>,
      tpu.vector_store %arg10[%swap3A_975, %swap3A_976], %add3A_974 {strides = array<i32>} : memref<79x128xi32, #tpu.memory_space<vmem>>, vector<16xi32>,
      %mul3A_978 = arith.constant 128 : i32
      %mul3A_979 = arith.muli %scan3A_896, %mul3A_978 : i32
      %add3A_980 = arith.constant 64 : i32
      %add3A_981 = arith.addi %mul3A_979, %add3A_980 : i32
      %get3A_982 = arith.constant 0 : i32
      %get3A_983 = arith.index_cast %get3A_982 : i32 to index
      %get3A_984 = arith.index_cast %add3A_981 : i32 to index
      %get3A_985 = tpu.vector_load %arg7[%get3A_983, %get3A_984] {strides = array<i32>} : memref<2x10112xi32, #tpu.memory_space<vmem>>, vector<16xi32>,
      %get3A_986 = arith.constant 1 : i32
      %get3A_987 = arith.index_cast %get3A_986 : i32 to index
      %get3A_988 = arith.index_cast %add3A_981 : i32 to index
      %get3A_989 = tpu.vector_load %arg7[%get3A_987, %get3A_988] {strides = array<i32>} : memref<2x10112xi32, #tpu.memory_space<vmem>>, vector<16xi32>,
      %gather3A_990 = tpu.vector_load_idx %arg8[%get3A_985] : memref<10000xi32, #tpu.memory_space<vmem>>[vector<16xi32>], vector<16xi32>,
      %mul3A_991 = arith.constant 3 : i32
      %mul3A_992 = vector.broadcast %mul3A_991 : i32 to vector<16xi32>
      %mul3A_993 = arith.muli %get3A_989, %mul3A_992 : vector<16xi32>
      %add3A_994 = arith.addi %mul3A_993, %gather3A_990 : vector<16xi32>
      %swap3A_995 = arith.index_cast %scan3A_896 : i32 to index
      %swap3A_996 = arith.constant 64 : index
      %swap3A_997 = tpu.vector_load %arg10[%swap3A_995, %swap3A_996] {strides = array<i32>} : memref<79x128xi32, #tpu.memory_space<vmem>>, vector<16xi32>,
      tpu.vector_store %arg10[%swap3A_995, %swap3A_996], %add3A_994 {strides = array<i32>} : memref<79x128xi32, #tpu.memory_space<vmem>>, vector<16xi32>,
      %mul3A_998 = arith.constant 128 : i32
      %mul3A_999 = arith.muli %scan3A_896, %mul3A_998 : i32
      %add3A_1000 = arith.constant 80 : i32
      %add3A_1001 = arith.addi %mul3A_999, %add3A_1000 : i32
      %get3A_1002 = arith.constant 0 : i32
      %get3A_1003 = arith.index_cast %get3A_1002 : i32 to index
      %get3A_1004 = arith.index_cast %add3A_1001 : i32 to index
      %get3A_1005 = tpu.vector_load %arg7[%get3A_1003, %get3A_1004] {strides = array<i32>} : memref<2x10112xi32, #tpu.memory_space<vmem>>, vector<16xi32>,
      %get3A_1006 = arith.constant 1 : i32
      %get3A_1007 = arith.index_cast %get3A_1006 : i32 to index
      %get3A_1008 = arith.index_cast %add3A_1001 : i32 to index
      %get3A_1009 = tpu.vector_load %arg7[%get3A_1007, %get3A_1008] {strides = array<i32>} : memref<2x10112xi32, #tpu.memory_space<vmem>>, vector<16xi32>,
      %gather3A_1010 = tpu.vector_load_idx %arg8[%get3A_1005] : memref<10000xi32, #tpu.memory_space<vmem>>[vector<16xi32>], vector<16xi32>,
      %mul3A_1011 = arith.constant 3 : i32
      %mul3A_1012 = vector.broadcast %mul3A_1011 : i32 to vector<16xi32>
      %mul3A_1013 = arith.muli %get3A_1009, %mul3A_1012 : vector<16xi32>
      %add3A_1014 = arith.addi %mul3A_1013, %gather3A_1010 : vector<16xi32>
      %swap3A_1015 = arith.index_cast %scan3A_896 : i32 to index
      %swap3A_1016 = arith.constant 80 : index
      %swap3A_1017 = tpu.vector_load %arg10[%swap3A_1015, %swap3A_1016] {strides = array<i32>} : memref<79x128xi32, #tpu.memory_space<vmem>>, vector<16xi32>,
      tpu.vector_store %arg10[%swap3A_1015, %swap3A_1016], %add3A_1014 {strides = array<i32>} : memref<79x128xi32, #tpu.memory_space<vmem>>, vector<16xi32>,
      %mul3A_1018 = arith.constant 128 : i32
      %mul3A_1019 = arith.muli %scan3A_896, %mul3A_1018 : i32
      %add3A_1020 = arith.constant 96 : i32
      %add3A_1021 = arith.addi %mul3A_1019, %add3A_1020 : i32
      %get3A_1022 = arith.constant 0 : i32
      %get3A_1023 = arith.index_cast %get3A_1022 : i32 to index
      %get3A_1024 = arith.index_cast %add3A_1021 : i32 to index
      %get3A_1025 = tpu.vector_load %arg7[%get3A_1023, %get3A_1024] {strides = array<i32>} : memref<2x10112xi32, #tpu.memory_space<vmem>>, vector<16xi32>,
      %get3A_1026 = arith.constant 1 : i32
      %get3A_1027 = arith.index_cast %get3A_1026 : i32 to index
      %get3A_1028 = arith.index_cast %add3A_1021 : i32 to index
      %get3A_1029 = tpu.vector_load %arg7[%get3A_1027, %get3A_1028] {strides = array<i32>} : memref<2x10112xi32, #tpu.memory_space<vmem>>, vector<16xi32>,
      %gather3A_1030 = tpu.vector_load_idx %arg8[%get3A_1025] : memref<10000xi32, #tpu.memory_space<vmem>>[vector<16xi32>], vector<16xi32>,
      %mul3A_1031 = arith.constant 3 : i32
      %mul3A_1032 = vector.broadcast %mul3A_1031 : i32 to vector<16xi32>
      %mul3A_1033 = arith.muli %get3A_1029, %mul3A_1032 : vector<16xi32>
      %add3A_1034 = arith.addi %mul3A_1033, %gather3A_1030 : vector<16xi32>
      %swap3A_1035 = arith.index_cast %scan3A_896 : i32 to index
      %swap3A_1036 = arith.constant 96 : index
      %swap3A_1037 = tpu.vector_load %arg10[%swap3A_1035, %swap3A_1036] {strides = array<i32>} : memref<79x128xi32, #tpu.memory_space<vmem>>, vector<16xi32>,
      tpu.vector_store %arg10[%swap3A_1035, %swap3A_1036], %add3A_1034 {strides = array<i32>} : memref<79x128xi32, #tpu.memory_space<vmem>>, vector<16xi32>,
      %mul3A_1038 = arith.constant 128 : i32
      %mul3A_1039 = arith.muli %scan3A_896, %mul3A_1038 : i32
      %add3A_1040 = arith.constant 112 : i32
      %add3A_1041 = arith.addi %mul3A_1039, %add3A_1040 : i32
      %get3A_1042 = arith.constant 0 : i32
      %get3A_1043 = arith.index_cast %get3A_1042 : i32 to index
      %get3A_1044 = arith.index_cast %add3A_1041 : i32 to index
      %get3A_1045 = tpu.vector_load %arg7[%get3A_1043, %get3A_1044] {strides = array<i32>} : memref<2x10112xi32, #tpu.memory_space<vmem>>, vector<16xi32>,
      %get3A_1046 = arith.constant 1 : i32
      %get3A_1047 = arith.index_cast %get3A_1046 : i32 to index
      %get3A_1048 = arith.index_cast %add3A_1041 : i32 to index
      %get3A_1049 = tpu.vector_load %arg7[%get3A_1047, %get3A_1048] {strides = array<i32>} : memref<2x10112xi32, #tpu.memory_space<vmem>>, vector<16xi32>,
      %gather3A_1050 = tpu.vector_load_idx %arg8[%get3A_1045] : memref<10000xi32, #tpu.memory_space<vmem>>[vector<16xi32>], vector<16xi32>,
      %mul3A_1051 = arith.constant 3 : i32
      %mul3A_1052 = vector.broadcast %mul3A_1051 : i32 to vector<16xi32>
      %mul3A_1053 = arith.muli %get3A_1049, %mul3A_1052 : vector<16xi32>
      %add3A_1054 = arith.addi %mul3A_1053, %gather3A_1050 : vector<16xi32>
      %swap3A_1055 = arith.index_cast %scan3A_896 : i32 to index
      %swap3A_1056 = arith.constant 112 : index
      %swap3A_1057 = tpu.vector_load %arg10[%swap3A_1055, %swap3A_1056] {strides = array<i32>} : memref<79x128xi32, #tpu.memory_space<vmem>>, vector<16xi32>,
      tpu.vector_store %arg10[%swap3A_1055, %swap3A_1056], %add3A_1054 {strides = array<i32>} : memref<79x128xi32, #tpu.memory_space<vmem>>, vector<16xi32>,
      %dma_start3A_1058 = arith.constant 0 : i32
      %dma_start3A_1059 = tpu.memref_slice %arg10[%scan3A_896, %dma_start3A_1058] : memref<79x128xi32, #tpu.memory_space<vmem>> -> memref<1x128xi32, #tpu.memory_space<vmem>>
      %dma_start3A_1060 = tpu.memref_squeeze %dma_start3A_1059 : memref<1x128xi32, #tpu.memory_space<vmem>> -> memref<128xi32, #tpu.memory_space<vmem>>
      %dma_start3A_1061 = arith.constant 0 : i32
      %dma_start3A_1062 = tpu.memref_slice %arg16[%dma_start3A_1061] : memref<30208xf32, #tpu.memory_space<vmem_shared>> -> memref<30208xf32, #tpu.memory_space<vmem_shared>>
      tpu.enqueue_indirect_dma source(%arg11 : memref<128xf32, #tpu.memory_space<vmem>>) target(%dma_start3A_1062 : memref<30208xf32, #tpu.memory_space<vmem_shared>>) offsets(%dma_start3A_1060 : memref<128xi32, #tpu.memory_space<vmem>>) semaphore(%arg18 : memref<!tpu.dma_semaphore, #tpu.memory_space<semaphore_mem>>) {add = true}
      %ge3A = arith.constant 16 : i32
      %ge3A_1063 = arith.cmpi sge, %scan3A_896, %ge3A : i32
      %convert_element_type3A_1064 = arith.extui %ge3A_1063 : i1 to i32
      %cond3A_1065 = arith.constant 0 : i32
      %cond3A_1066 = arith.cmpi ne, %convert_element_type3A_1064, %cond3A_1065 : i32
      scf.if %cond3A_1066 {
        %sub3A_1068 = arith.constant 16 : i32
        %sub3A_1069 = arith.subi %scan3A_896, %sub3A_1068 : i32
        %dma_wait3A_1070 = arith.constant 0 : i32
        %dma_wait3A_1071 = tpu.memref_slice %arg10[%sub3A_1069, %dma_wait3A_1070] : memref<79x128xi32, #tpu.memory_space<vmem>> -> memref<1x128xi32, #tpu.memory_space<vmem>>
        %dma_wait3A_1072 = tpu.memref_squeeze %dma_wait3A_1071 : memref<1x128xi32, #tpu.memory_space<vmem>> -> memref<128xi32, #tpu.memory_space<vmem>>
        %dma_wait3A_1073 = arith.constant 0 : i32
        %dma_wait3A_1074 = tpu.memref_slice %arg16[%dma_wait3A_1073] : memref<30208xf32, #tpu.memory_space<vmem_shared>> -> memref<30208xf32, #tpu.memory_space<vmem_shared>>
        tpu.wait_indirect_dma semaphore(%arg18 : memref<!tpu.dma_semaphore, #tpu.memory_space<semaphore_mem>>) src(%arg11 : memref<128xf32, #tpu.memory_space<vmem>>) dst(%dma_wait3A_1074 : memref<30208xf32, #tpu.memory_space<vmem_shared>>)
      } else {
      }
      %scan3A_1067 = arith.constant 0 : i32
      scf.yield %scan3A_1067 : i32
    }
    %scan3A_129 = arith.constant 78 : i32
    %lt3A_130 = arith.constant 4 : i32
    %lt3A_131 = arith.cmpi slt, %add3A, %lt3A_130 : i32
    %convert_element_type3A_132 = arith.extui %lt3A_131 : i1 to i32
    %sub3A = arith.constant 1 : i32
    %sub3A_133 = arith.subi %sub3A, %convert_element_type3A_132 : i32
    %get3A = arith.constant 0 : i32
    %get3A_134 = arith.index_cast %get3A : i32 to index
    %get3A_135 = arith.constant 9984 : index
    %get3A_136 = tpu.vector_load %arg7[%get3A_134, %get3A_135] {strides = array<i32>} : memref<2x10112xi32, #tpu.memory_space<vmem>>, vector<16xi32>,
    %get3A_137 = arith.constant 1 : i32
    %get3A_138 = arith.index_cast %get3A_137 : i32 to index
    %get3A_139 = arith.constant 9984 : index
    %get3A_140 = tpu.vector_load %arg7[%get3A_138, %get3A_139] {strides = array<i32>} : memref<2x10112xi32, #tpu.memory_space<vmem>>, vector<16xi32>,
    %gather3A = tpu.vector_load_idx %arg8[%get3A_136] : memref<10000xi32, #tpu.memory_space<vmem>>[vector<16xi32>], vector<16xi32>,
    %mul3A_141 = arith.constant 3 : i32
    %mul3A_142 = vector.broadcast %mul3A_141 : i32 to vector<16xi32>
    %mul3A_143 = arith.muli %get3A_140, %mul3A_142 : vector<16xi32>
    %add3A_144 = arith.addi %mul3A_143, %gather3A : vector<16xi32>
    %mul3A_145 = vector.broadcast %convert_element_type3A_132 : i32 to vector<16xi32>
    %mul3A_146 = arith.muli %add3A_144, %mul3A_145 : vector<16xi32>
    %mul3A_147 = vector.broadcast %sub3A_133 : i32 to vector<16xi32>
    %mul3A_148 = arith.muli %broadcast_in_dim3A_7, %mul3A_147 : vector<16xi32>
    %add3A_149 = arith.addi %mul3A_146, %mul3A_148 : vector<16xi32>
    %swap3A_150 = arith.constant 78 : i32
    %swap3A_151 = arith.index_cast %swap3A_150 : i32 to index
    %swap3A_152 = arith.constant 0 : index
    %swap3A_153 = tpu.vector_load %arg10[%swap3A_151, %swap3A_152] {strides = array<i32>} : memref<79x128xi32, #tpu.memory_space<vmem>>, vector<16xi32>,
    tpu.vector_store %arg10[%swap3A_151, %swap3A_152], %add3A_149 {strides = array<i32>} : memref<79x128xi32, #tpu.memory_space<vmem>>, vector<16xi32>,
    %get3A_154 = arith.constant 0 : i32
    %get3A_155 = arith.index_cast %get3A_154 : i32 to index
    %get3A_156 = arith.constant 10000 : index
    %get3A_157 = tpu.vector_load %arg7[%get3A_155, %get3A_156] {strides = array<i32>} : memref<2x10112xi32, #tpu.memory_space<vmem>>, vector<16xi32>,
    %get3A_158 = arith.constant 1 : i32
    %get3A_159 = arith.index_cast %get3A_158 : i32 to index
    %get3A_160 = arith.constant 10000 : index
    %get3A_161 = tpu.vector_load %arg7[%get3A_159, %get3A_160] {strides = array<i32>} : memref<2x10112xi32, #tpu.memory_space<vmem>>, vector<16xi32>,
    %gather3A_162 = tpu.vector_load_idx %arg8[%get3A_157] : memref<10000xi32, #tpu.memory_space<vmem>>[vector<16xi32>], vector<16xi32>,
    %mul3A_163 = arith.constant 3 : i32
    %mul3A_164 = vector.broadcast %mul3A_163 : i32 to vector<16xi32>
    %mul3A_165 = arith.muli %get3A_161, %mul3A_164 : vector<16xi32>
    %add3A_166 = arith.addi %mul3A_165, %gather3A_162 : vector<16xi32>
    %mul3A_167 = vector.broadcast %convert_element_type3A_132 : i32 to vector<16xi32>
    %mul3A_168 = arith.muli %add3A_166, %mul3A_167 : vector<16xi32>
    %mul3A_169 = vector.broadcast %sub3A_133 : i32 to vector<16xi32>
    %mul3A_170 = arith.muli %broadcast_in_dim3A_7, %mul3A_169 : vector<16xi32>
    %add3A_171 = arith.addi %mul3A_168, %mul3A_170 : vector<16xi32>
    %swap3A_172 = arith.constant 78 : i32
    %swap3A_173 = arith.index_cast %swap3A_172 : i32 to index
    %swap3A_174 = arith.constant 16 : index
    %swap3A_175 = tpu.vector_load %arg10[%swap3A_173, %swap3A_174] {strides = array<i32>} : memref<79x128xi32, #tpu.memory_space<vmem>>, vector<16xi32>,
    tpu.vector_store %arg10[%swap3A_173, %swap3A_174], %add3A_171 {strides = array<i32>} : memref<79x128xi32, #tpu.memory_space<vmem>>, vector<16xi32>,
    %get3A_176 = arith.constant 0 : i32
    %get3A_177 = arith.index_cast %get3A_176 : i32 to index
    %get3A_178 = arith.constant 10016 : index
    %get3A_179 = tpu.vector_load %arg7[%get3A_177, %get3A_178] {strides = array<i32>} : memref<2x10112xi32, #tpu.memory_space<vmem>>, vector<16xi32>,
    %get3A_180 = arith.constant 1 : i32
    %get3A_181 = arith.index_cast %get3A_180 : i32 to index
    %get3A_182 = arith.constant 10016 : index
    %get3A_183 = tpu.vector_load %arg7[%get3A_181, %get3A_182] {strides = array<i32>} : memref<2x10112xi32, #tpu.memory_space<vmem>>, vector<16xi32>,
    %gather3A_184 = tpu.vector_load_idx %arg8[%get3A_179] : memref<10000xi32, #tpu.memory_space<vmem>>[vector<16xi32>], vector<16xi32>,
    %mul3A_185 = arith.constant 3 : i32
    %mul3A_186 = vector.broadcast %mul3A_185 : i32 to vector<16xi32>
    %mul3A_187 = arith.muli %get3A_183, %mul3A_186 : vector<16xi32>
    %add3A_188 = arith.addi %mul3A_187, %gather3A_184 : vector<16xi32>
    %mul3A_189 = vector.broadcast %convert_element_type3A_132 : i32 to vector<16xi32>
    %mul3A_190 = arith.muli %add3A_188, %mul3A_189 : vector<16xi32>
    %mul3A_191 = vector.broadcast %sub3A_133 : i32 to vector<16xi32>
    %mul3A_192 = arith.muli %broadcast_in_dim3A_7, %mul3A_191 : vector<16xi32>
    %add3A_193 = arith.addi %mul3A_190, %mul3A_192 : vector<16xi32>
    %swap3A_194 = arith.constant 78 : i32
    %swap3A_195 = arith.index_cast %swap3A_194 : i32 to index
    %swap3A_196 = arith.constant 32 : index
    %swap3A_197 = tpu.vector_load %arg10[%swap3A_195, %swap3A_196] {strides = array<i32>} : memref<79x128xi32, #tpu.memory_space<vmem>>, vector<16xi32>,
    tpu.vector_store %arg10[%swap3A_195, %swap3A_196], %add3A_193 {strides = array<i32>} : memref<79x128xi32, #tpu.memory_space<vmem>>, vector<16xi32>,
    %get3A_198 = arith.constant 0 : i32
    %get3A_199 = arith.index_cast %get3A_198 : i32 to index
    %get3A_200 = arith.constant 10032 : index
    %get3A_201 = tpu.vector_load %arg7[%get3A_199, %get3A_200] {strides = array<i32>} : memref<2x10112xi32, #tpu.memory_space<vmem>>, vector<16xi32>,
    %get3A_202 = arith.constant 1 : i32
    %get3A_203 = arith.index_cast %get3A_202 : i32 to index
    %get3A_204 = arith.constant 10032 : index
    %get3A_205 = tpu.vector_load %arg7[%get3A_203, %get3A_204] {strides = array<i32>} : memref<2x10112xi32, #tpu.memory_space<vmem>>, vector<16xi32>,
    %gather3A_206 = tpu.vector_load_idx %arg8[%get3A_201] : memref<10000xi32, #tpu.memory_space<vmem>>[vector<16xi32>], vector<16xi32>,
    %mul3A_207 = arith.constant 3 : i32
    %mul3A_208 = vector.broadcast %mul3A_207 : i32 to vector<16xi32>
    %mul3A_209 = arith.muli %get3A_205, %mul3A_208 : vector<16xi32>
    %add3A_210 = arith.addi %mul3A_209, %gather3A_206 : vector<16xi32>
    %mul3A_211 = vector.broadcast %convert_element_type3A_132 : i32 to vector<16xi32>
    %mul3A_212 = arith.muli %add3A_210, %mul3A_211 : vector<16xi32>
    %mul3A_213 = vector.broadcast %sub3A_133 : i32 to vector<16xi32>
    %mul3A_214 = arith.muli %broadcast_in_dim3A_7, %mul3A_213 : vector<16xi32>
    %add3A_215 = arith.addi %mul3A_212, %mul3A_214 : vector<16xi32>
    %swap3A_216 = arith.constant 78 : i32
    %swap3A_217 = arith.index_cast %swap3A_216 : i32 to index
    %swap3A_218 = arith.constant 48 : index
    %swap3A_219 = tpu.vector_load %arg10[%swap3A_217, %swap3A_218] {strides = array<i32>} : memref<79x128xi32, #tpu.memory_space<vmem>>, vector<16xi32>,
    tpu.vector_store %arg10[%swap3A_217, %swap3A_218], %add3A_215 {strides = array<i32>} : memref<79x128xi32, #tpu.memory_space<vmem>>, vector<16xi32>,
    %get3A_220 = arith.constant 0 : i32
    %get3A_221 = arith.index_cast %get3A_220 : i32 to index
    %get3A_222 = arith.constant 10048 : index
    %get3A_223 = tpu.vector_load %arg7[%get3A_221, %get3A_222] {strides = array<i32>} : memref<2x10112xi32, #tpu.memory_space<vmem>>, vector<16xi32>,
    %get3A_224 = arith.constant 1 : i32
    %get3A_225 = arith.index_cast %get3A_224 : i32 to index
    %get3A_226 = arith.constant 10048 : index
    %get3A_227 = tpu.vector_load %arg7[%get3A_225, %get3A_226] {strides = array<i32>} : memref<2x10112xi32, #tpu.memory_space<vmem>>, vector<16xi32>,
    %gather3A_228 = tpu.vector_load_idx %arg8[%get3A_223] : memref<10000xi32, #tpu.memory_space<vmem>>[vector<16xi32>], vector<16xi32>,
    %mul3A_229 = arith.constant 3 : i32
    %mul3A_230 = vector.broadcast %mul3A_229 : i32 to vector<16xi32>
    %mul3A_231 = arith.muli %get3A_227, %mul3A_230 : vector<16xi32>
    %add3A_232 = arith.addi %mul3A_231, %gather3A_228 : vector<16xi32>
    %mul3A_233 = vector.broadcast %convert_element_type3A_132 : i32 to vector<16xi32>
    %mul3A_234 = arith.muli %add3A_232, %mul3A_233 : vector<16xi32>
    %mul3A_235 = vector.broadcast %sub3A_133 : i32 to vector<16xi32>
    %mul3A_236 = arith.muli %broadcast_in_dim3A_7, %mul3A_235 : vector<16xi32>
    %add3A_237 = arith.addi %mul3A_234, %mul3A_236 : vector<16xi32>
    %swap3A_238 = arith.constant 78 : i32
    %swap3A_239 = arith.index_cast %swap3A_238 : i32 to index
    %swap3A_240 = arith.constant 64 : index
    %swap3A_241 = tpu.vector_load %arg10[%swap3A_239, %swap3A_240] {strides = array<i32>} : memref<79x128xi32, #tpu.memory_space<vmem>>, vector<16xi32>,
    tpu.vector_store %arg10[%swap3A_239, %swap3A_240], %add3A_237 {strides = array<i32>} : memref<79x128xi32, #tpu.memory_space<vmem>>, vector<16xi32>,
    %get3A_242 = arith.constant 0 : i32
    %get3A_243 = arith.index_cast %get3A_242 : i32 to index
    %get3A_244 = arith.constant 10064 : index
    %get3A_245 = tpu.vector_load %arg7[%get3A_243, %get3A_244] {strides = array<i32>} : memref<2x10112xi32, #tpu.memory_space<vmem>>, vector<16xi32>,
    %get3A_246 = arith.constant 1 : i32
    %get3A_247 = arith.index_cast %get3A_246 : i32 to index
    %get3A_248 = arith.constant 10064 : index
    %get3A_249 = tpu.vector_load %arg7[%get3A_247, %get3A_248] {strides = array<i32>} : memref<2x10112xi32, #tpu.memory_space<vmem>>, vector<16xi32>,
    %gather3A_250 = tpu.vector_load_idx %arg8[%get3A_245] : memref<10000xi32, #tpu.memory_space<vmem>>[vector<16xi32>], vector<16xi32>,
    %mul3A_251 = arith.constant 3 : i32
    %mul3A_252 = vector.broadcast %mul3A_251 : i32 to vector<16xi32>
    %mul3A_253 = arith.muli %get3A_249, %mul3A_252 : vector<16xi32>
    %add3A_254 = arith.addi %mul3A_253, %gather3A_250 : vector<16xi32>
    %mul3A_255 = vector.broadcast %convert_element_type3A_132 : i32 to vector<16xi32>
    %mul3A_256 = arith.muli %add3A_254, %mul3A_255 : vector<16xi32>
    %mul3A_257 = vector.broadcast %sub3A_133 : i32 to vector<16xi32>
    %mul3A_258 = arith.muli %broadcast_in_dim3A_7, %mul3A_257 : vector<16xi32>
    %add3A_259 = arith.addi %mul3A_256, %mul3A_258 : vector<16xi32>
    %swap3A_260 = arith.constant 78 : i32
    %swap3A_261 = arith.index_cast %swap3A_260 : i32 to index
    %swap3A_262 = arith.constant 80 : index
    %swap3A_263 = tpu.vector_load %arg10[%swap3A_261, %swap3A_262] {strides = array<i32>} : memref<79x128xi32, #tpu.memory_space<vmem>>, vector<16xi32>,
    tpu.vector_store %arg10[%swap3A_261, %swap3A_262], %add3A_259 {strides = array<i32>} : memref<79x128xi32, #tpu.memory_space<vmem>>, vector<16xi32>,
    %get3A_264 = arith.constant 0 : i32
    %get3A_265 = arith.index_cast %get3A_264 : i32 to index
    %get3A_266 = arith.constant 10080 : index
    %get3A_267 = tpu.vector_load %arg7[%get3A_265, %get3A_266] {strides = array<i32>} : memref<2x10112xi32, #tpu.memory_space<vmem>>, vector<16xi32>,
    %get3A_268 = arith.constant 1 : i32
    %get3A_269 = arith.index_cast %get3A_268 : i32 to index
    %get3A_270 = arith.constant 10080 : index
    %get3A_271 = tpu.vector_load %arg7[%get3A_269, %get3A_270] {strides = array<i32>} : memref<2x10112xi32, #tpu.memory_space<vmem>>, vector<16xi32>,
    %gather3A_272 = tpu.vector_load_idx %arg8[%get3A_267] : memref<10000xi32, #tpu.memory_space<vmem>>[vector<16xi32>], vector<16xi32>,
    %mul3A_273 = arith.constant 3 : i32
    %mul3A_274 = vector.broadcast %mul3A_273 : i32 to vector<16xi32>
    %mul3A_275 = arith.muli %get3A_271, %mul3A_274 : vector<16xi32>
    %add3A_276 = arith.addi %mul3A_275, %gather3A_272 : vector<16xi32>
    %mul3A_277 = vector.broadcast %convert_element_type3A_132 : i32 to vector<16xi32>
    %mul3A_278 = arith.muli %add3A_276, %mul3A_277 : vector<16xi32>
    %mul3A_279 = vector.broadcast %sub3A_133 : i32 to vector<16xi32>
    %mul3A_280 = arith.muli %broadcast_in_dim3A_7, %mul3A_279 : vector<16xi32>
    %add3A_281 = arith.addi %mul3A_278, %mul3A_280 : vector<16xi32>
    %swap3A_282 = arith.constant 78 : i32
    %swap3A_283 = arith.index_cast %swap3A_282 : i32 to index
    %swap3A_284 = arith.constant 96 : index
    %swap3A_285 = tpu.vector_load %arg10[%swap3A_283, %swap3A_284] {strides = array<i32>} : memref<79x128xi32, #tpu.memory_space<vmem>>, vector<16xi32>,
    tpu.vector_store %arg10[%swap3A_283, %swap3A_284], %add3A_281 {strides = array<i32>} : memref<79x128xi32, #tpu.memory_space<vmem>>, vector<16xi32>,
    %get3A_286 = arith.constant 0 : i32
    %get3A_287 = arith.index_cast %get3A_286 : i32 to index
    %get3A_288 = arith.constant 10096 : index
    %get3A_289 = tpu.vector_load %arg7[%get3A_287, %get3A_288] {strides = array<i32>} : memref<2x10112xi32, #tpu.memory_space<vmem>>, vector<16xi32>,
    %get3A_290 = arith.constant 1 : i32
    %get3A_291 = arith.index_cast %get3A_290 : i32 to index
    %get3A_292 = arith.constant 10096 : index
    %get3A_293 = tpu.vector_load %arg7[%get3A_291, %get3A_292] {strides = array<i32>} : memref<2x10112xi32, #tpu.memory_space<vmem>>, vector<16xi32>,
    %gather3A_294 = tpu.vector_load_idx %arg8[%get3A_289] : memref<10000xi32, #tpu.memory_space<vmem>>[vector<16xi32>], vector<16xi32>,
    %mul3A_295 = arith.constant 3 : i32
    %mul3A_296 = vector.broadcast %mul3A_295 : i32 to vector<16xi32>
    %mul3A_297 = arith.muli %get3A_293, %mul3A_296 : vector<16xi32>
    %add3A_298 = arith.addi %mul3A_297, %gather3A_294 : vector<16xi32>
    %mul3A_299 = vector.broadcast %convert_element_type3A_132 : i32 to vector<16xi32>
    %mul3A_300 = arith.muli %add3A_298, %mul3A_299 : vector<16xi32>
    %mul3A_301 = vector.broadcast %sub3A_133 : i32 to vector<16xi32>
    %mul3A_302 = arith.muli %broadcast_in_dim3A_7, %mul3A_301 : vector<16xi32>
    %add3A_303 = arith.addi %mul3A_300, %mul3A_302 : vector<16xi32>
    %swap3A_304 = arith.constant 78 : i32
    %swap3A_305 = arith.index_cast %swap3A_304 : i32 to index
    %swap3A_306 = arith.constant 112 : index
    %swap3A_307 = tpu.vector_load %arg10[%swap3A_305, %swap3A_306] {strides = array<i32>} : memref<79x128xi32, #tpu.memory_space<vmem>>, vector<16xi32>,
    tpu.vector_store %arg10[%swap3A_305, %swap3A_306], %add3A_303 {strides = array<i32>} : memref<79x128xi32, #tpu.memory_space<vmem>>, vector<16xi32>,
    %dma_start3A_308 = arith.constant 78 : i32
    %dma_start3A_309 = arith.constant 0 : i32
    %dma_start3A_310 = tpu.memref_slice %arg10[%dma_start3A_308, %dma_start3A_309] : memref<79x128xi32, #tpu.memory_space<vmem>> -> memref<1x128xi32, #tpu.memory_space<vmem>>
    %dma_start3A_311 = tpu.memref_squeeze %dma_start3A_310 : memref<1x128xi32, #tpu.memory_space<vmem>> -> memref<128xi32, #tpu.memory_space<vmem>>
    %dma_start3A_312 = arith.constant 0 : i32
    %dma_start3A_313 = tpu.memref_slice %arg16[%dma_start3A_312] : memref<30208xf32, #tpu.memory_space<vmem_shared>> -> memref<30208xf32, #tpu.memory_space<vmem_shared>>
    tpu.enqueue_indirect_dma source(%arg11 : memref<128xf32, #tpu.memory_space<vmem>>) target(%dma_start3A_313 : memref<30208xf32, #tpu.memory_space<vmem_shared>>) offsets(%dma_start3A_311 : memref<128xi32, #tpu.memory_space<vmem>>) semaphore(%arg18 : memref<!tpu.dma_semaphore, #tpu.memory_space<semaphore_mem>>) {add = true}
    %scan3A_314 = arith.constant 0 : i32
    %scan3A_315 = arith.constant 62 : i32
    %scan3A_316 = arith.constant 17 : i32
    %scan3A_317 = arith.addi %scan3A_315, %scan3A_316 : i32
    %scan3A_318 = arith.constant 1 : i32
    %scan3A_319 = scf.for %scan3A_896 = %scan3A_315 to %scan3A_317 step %scan3A_318 iter_args(%scan3A_897 = %scan3A_314) -> (i32)  : i32 {
      %dma_wait3A_898 = arith.constant 0 : i32
      %dma_wait3A_899 = tpu.memref_slice %arg10[%scan3A_896, %dma_wait3A_898] : memref<79x128xi32, #tpu.memory_space<vmem>> -> memref<1x128xi32, #tpu.memory_space<vmem>>
      %dma_wait3A_900 = tpu.memref_squeeze %dma_wait3A_899 : memref<1x128xi32, #tpu.memory_space<vmem>> -> memref<128xi32, #tpu.memory_space<vmem>>
      %dma_wait3A_901 = arith.constant 0 : i32
      %dma_wait3A_902 = tpu.memref_slice %arg16[%dma_wait3A_901] : memref<30208xf32, #tpu.memory_space<vmem_shared>> -> memref<30208xf32, #tpu.memory_space<vmem_shared>>
      tpu.wait_indirect_dma semaphore(%arg18 : memref<!tpu.dma_semaphore, #tpu.memory_space<semaphore_mem>>) src(%arg11 : memref<128xf32, #tpu.memory_space<vmem>>) dst(%dma_wait3A_902 : memref<30208xf32, #tpu.memory_space<vmem_shared>>)
      %scan3A_903 = arith.constant 0 : i32
      scf.yield %scan3A_903 : i32
    }
    %scan3A_320 = arith.constant 17 : i32
    %barrier3A_321 = arith.constant 0 : index
    tpu.barrier barrier_id(%barrier3A_321)
    %add3A_322 = arith.constant 0 : i32
    %add3A_323 = vector.broadcast %add3A_322 : i32 to vector<16xi32>
    %add3A_324 = arith.addi %iota3A, %add3A_323 : vector<16xi32>
    %gather3A_325 = tpu.vector_load_idx %arg9[%add3A_324] : memref<128xi32, #tpu.memory_space<vmem>>[vector<16xi32>], vector<16xi32>,
    %gather3A_326 = tpu.vector_load_idx %arg8[%gather3A_325] : memref<10000xi32, #tpu.memory_space<vmem>>[vector<16xi32>], vector<16xi32>,
    %swap3A_327 = arith.constant 0 : index
    %swap3A_328 = tpu.vector_load %arg14[%swap3A_327] {strides = array<i32>} : memref<128xi32, #tpu.memory_space<vmem>>, vector<16xi32>,
    tpu.vector_store %arg14[%swap3A_327], %gather3A_326 {strides = array<i32>} : memref<128xi32, #tpu.memory_space<vmem>>, vector<16xi32>,
    %mul3A_329 = arith.constant 3 : i32
    %mul3A_330 = vector.broadcast %mul3A_329 : i32 to vector<16xi32>
    %mul3A_331 = arith.muli %gather3A_325, %mul3A_330 : vector<16xi32>
    %add3A_332 = arith.constant 0 : i32
    %add3A_333 = vector.broadcast %add3A_332 : i32 to vector<16xi32>
    %add3A_334 = arith.addi %mul3A_331, %add3A_333 : vector<16xi32>
    %swap3A_335 = arith.constant 0 : i32
    %swap3A_336 = arith.index_cast %swap3A_335 : i32 to index
    %swap3A_337 = arith.constant 0 : index
    %swap3A_338 = tpu.vector_load %arg12[%swap3A_336, %swap3A_337] {strides = array<i32>} : memref<8x128xi32, #tpu.memory_space<vmem>>, vector<16xi32>,
    tpu.vector_store %arg12[%swap3A_336, %swap3A_337], %add3A_334 {strides = array<i32>} : memref<8x128xi32, #tpu.memory_space<vmem>>, vector<16xi32>,
    %add3A_339 = arith.constant 1 : i32
    %add3A_340 = vector.broadcast %add3A_339 : i32 to vector<16xi32>
    %add3A_341 = arith.addi %mul3A_331, %add3A_340 : vector<16xi32>
    %swap3A_342 = arith.constant 1 : i32
    %swap3A_343 = arith.index_cast %swap3A_342 : i32 to index
    %swap3A_344 = arith.constant 0 : index
    %swap3A_345 = tpu.vector_load %arg12[%swap3A_343, %swap3A_344] {strides = array<i32>} : memref<8x128xi32, #tpu.memory_space<vmem>>, vector<16xi32>,
    tpu.vector_store %arg12[%swap3A_343, %swap3A_344], %add3A_341 {strides = array<i32>} : memref<8x128xi32, #tpu.memory_space<vmem>>, vector<16xi32>,
    %add3A_346 = arith.constant 2 : i32
    %add3A_347 = vector.broadcast %add3A_346 : i32 to vector<16xi32>
    %add3A_348 = arith.addi %mul3A_331, %add3A_347 : vector<16xi32>
    %swap3A_349 = arith.constant 2 : i32
    %swap3A_350 = arith.index_cast %swap3A_349 : i32 to index
    %swap3A_351 = arith.constant 0 : index
    %swap3A_352 = tpu.vector_load %arg12[%swap3A_350, %swap3A_351] {strides = array<i32>} : memref<8x128xi32, #tpu.memory_space<vmem>>, vector<16xi32>,
    tpu.vector_store %arg12[%swap3A_350, %swap3A_351], %add3A_348 {strides = array<i32>} : memref<8x128xi32, #tpu.memory_space<vmem>>, vector<16xi32>,
    %swap3A_353 = arith.constant 3 : i32
    %swap3A_354 = arith.index_cast %swap3A_353 : i32 to index
    %swap3A_355 = arith.constant 0 : index
    %swap3A_356 = tpu.vector_load %arg12[%swap3A_354, %swap3A_355] {strides = array<i32>} : memref<8x128xi32, #tpu.memory_space<vmem>>, vector<16xi32>,
    tpu.vector_store %arg12[%swap3A_354, %swap3A_355], %broadcast_in_dim3A_7 {strides = array<i32>} : memref<8x128xi32, #tpu.memory_space<vmem>>, vector<16xi32>,
    %swap3A_357 = arith.constant 4 : i32
    %swap3A_358 = arith.index_cast %swap3A_357 : i32 to index
    %swap3A_359 = arith.constant 0 : index
    %swap3A_360 = tpu.vector_load %arg12[%swap3A_358, %swap3A_359] {strides = array<i32>} : memref<8x128xi32, #tpu.memory_space<vmem>>, vector<16xi32>,
    tpu.vector_store %arg12[%swap3A_358, %swap3A_359], %broadcast_in_dim3A_7 {strides = array<i32>} : memref<8x128xi32, #tpu.memory_space<vmem>>, vector<16xi32>,
    %swap3A_361 = arith.constant 5 : i32
    %swap3A_362 = arith.index_cast %swap3A_361 : i32 to index
    %swap3A_363 = arith.constant 0 : index
    %swap3A_364 = tpu.vector_load %arg12[%swap3A_362, %swap3A_363] {strides = array<i32>} : memref<8x128xi32, #tpu.memory_space<vmem>>, vector<16xi32>,
    tpu.vector_store %arg12[%swap3A_362, %swap3A_363], %broadcast_in_dim3A_7 {strides = array<i32>} : memref<8x128xi32, #tpu.memory_space<vmem>>, vector<16xi32>,
    %swap3A_365 = arith.constant 6 : i32
    %swap3A_366 = arith.index_cast %swap3A_365 : i32 to index
    %swap3A_367 = arith.constant 0 : index
    %swap3A_368 = tpu.vector_load %arg12[%swap3A_366, %swap3A_367] {strides = array<i32>} : memref<8x128xi32, #tpu.memory_space<vmem>>, vector<16xi32>,
    tpu.vector_store %arg12[%swap3A_366, %swap3A_367], %broadcast_in_dim3A_7 {strides = array<i32>} : memref<8x128xi32, #tpu.memory_space<vmem>>, vector<16xi32>,
    %swap3A_369 = arith.constant 7 : i32
    %swap3A_370 = arith.index_cast %swap3A_369 : i32 to index
    %swap3A_371 = arith.constant 0 : index
    %swap3A_372 = tpu.vector_load %arg12[%swap3A_370, %swap3A_371] {strides = array<i32>} : memref<8x128xi32, #tpu.memory_space<vmem>>, vector<16xi32>,
    tpu.vector_store %arg12[%swap3A_370, %swap3A_371], %broadcast_in_dim3A_7 {strides = array<i32>} : memref<8x128xi32, #tpu.memory_space<vmem>>, vector<16xi32>,
    %add3A_373 = arith.constant 16 : i32
    %add3A_374 = vector.broadcast %add3A_373 : i32 to vector<16xi32>
    %add3A_375 = arith.addi %iota3A, %add3A_374 : vector<16xi32>
    %gather3A_376 = tpu.vector_load_idx %arg9[%add3A_375] : memref<128xi32, #tpu.memory_space<vmem>>[vector<16xi32>], vector<16xi32>,
    %gather3A_377 = tpu.vector_load_idx %arg8[%gather3A_376] : memref<10000xi32, #tpu.memory_space<vmem>>[vector<16xi32>], vector<16xi32>,
    %swap3A_378 = arith.constant 16 : index
    %swap3A_379 = tpu.vector_load %arg14[%swap3A_378] {strides = array<i32>} : memref<128xi32, #tpu.memory_space<vmem>>, vector<16xi32>,
    tpu.vector_store %arg14[%swap3A_378], %gather3A_377 {strides = array<i32>} : memref<128xi32, #tpu.memory_space<vmem>>, vector<16xi32>,
    %mul3A_380 = arith.constant 3 : i32
    %mul3A_381 = vector.broadcast %mul3A_380 : i32 to vector<16xi32>
    %mul3A_382 = arith.muli %gather3A_376, %mul3A_381 : vector<16xi32>
    %add3A_383 = arith.constant 0 : i32
    %add3A_384 = vector.broadcast %add3A_383 : i32 to vector<16xi32>
    %add3A_385 = arith.addi %mul3A_382, %add3A_384 : vector<16xi32>
    %swap3A_386 = arith.constant 0 : i32
    %swap3A_387 = arith.index_cast %swap3A_386 : i32 to index
    %swap3A_388 = arith.constant 16 : index
    %swap3A_389 = tpu.vector_load %arg12[%swap3A_387, %swap3A_388] {strides = array<i32>} : memref<8x128xi32, #tpu.memory_space<vmem>>, vector<16xi32>,
    tpu.vector_store %arg12[%swap3A_387, %swap3A_388], %add3A_385 {strides = array<i32>} : memref<8x128xi32, #tpu.memory_space<vmem>>, vector<16xi32>,
    %add3A_390 = arith.constant 1 : i32
    %add3A_391 = vector.broadcast %add3A_390 : i32 to vector<16xi32>
    %add3A_392 = arith.addi %mul3A_382, %add3A_391 : vector<16xi32>
    %swap3A_393 = arith.constant 1 : i32
    %swap3A_394 = arith.index_cast %swap3A_393 : i32 to index
    %swap3A_395 = arith.constant 16 : index
    %swap3A_396 = tpu.vector_load %arg12[%swap3A_394, %swap3A_395] {strides = array<i32>} : memref<8x128xi32, #tpu.memory_space<vmem>>, vector<16xi32>,
    tpu.vector_store %arg12[%swap3A_394, %swap3A_395], %add3A_392 {strides = array<i32>} : memref<8x128xi32, #tpu.memory_space<vmem>>, vector<16xi32>,
    %add3A_397 = arith.constant 2 : i32
    %add3A_398 = vector.broadcast %add3A_397 : i32 to vector<16xi32>
    %add3A_399 = arith.addi %mul3A_382, %add3A_398 : vector<16xi32>
    %swap3A_400 = arith.constant 2 : i32
    %swap3A_401 = arith.index_cast %swap3A_400 : i32 to index
    %swap3A_402 = arith.constant 16 : index
    %swap3A_403 = tpu.vector_load %arg12[%swap3A_401, %swap3A_402] {strides = array<i32>} : memref<8x128xi32, #tpu.memory_space<vmem>>, vector<16xi32>,
    tpu.vector_store %arg12[%swap3A_401, %swap3A_402], %add3A_399 {strides = array<i32>} : memref<8x128xi32, #tpu.memory_space<vmem>>, vector<16xi32>,
    %swap3A_404 = arith.constant 3 : i32
    %swap3A_405 = arith.index_cast %swap3A_404 : i32 to index
    %swap3A_406 = arith.constant 16 : index
    %swap3A_407 = tpu.vector_load %arg12[%swap3A_405, %swap3A_406] {strides = array<i32>} : memref<8x128xi32, #tpu.memory_space<vmem>>, vector<16xi32>,
    tpu.vector_store %arg12[%swap3A_405, %swap3A_406], %broadcast_in_dim3A_7 {strides = array<i32>} : memref<8x128xi32, #tpu.memory_space<vmem>>, vector<16xi32>,
    %swap3A_408 = arith.constant 4 : i32
    %swap3A_409 = arith.index_cast %swap3A_408 : i32 to index
    %swap3A_410 = arith.constant 16 : index
    %swap3A_411 = tpu.vector_load %arg12[%swap3A_409, %swap3A_410] {strides = array<i32>} : memref<8x128xi32, #tpu.memory_space<vmem>>, vector<16xi32>,
    tpu.vector_store %arg12[%swap3A_409, %swap3A_410], %broadcast_in_dim3A_7 {strides = array<i32>} : memref<8x128xi32, #tpu.memory_space<vmem>>, vector<16xi32>,
    %swap3A_412 = arith.constant 5 : i32
    %swap3A_413 = arith.index_cast %swap3A_412 : i32 to index
    %swap3A_414 = arith.constant 16 : index
    %swap3A_415 = tpu.vector_load %arg12[%swap3A_413, %swap3A_414] {strides = array<i32>} : memref<8x128xi32, #tpu.memory_space<vmem>>, vector<16xi32>,
    tpu.vector_store %arg12[%swap3A_413, %swap3A_414], %broadcast_in_dim3A_7 {strides = array<i32>} : memref<8x128xi32, #tpu.memory_space<vmem>>, vector<16xi32>,
    %swap3A_416 = arith.constant 6 : i32
    %swap3A_417 = arith.index_cast %swap3A_416 : i32 to index
    %swap3A_418 = arith.constant 16 : index
    %swap3A_419 = tpu.vector_load %arg12[%swap3A_417, %swap3A_418] {strides = array<i32>} : memref<8x128xi32, #tpu.memory_space<vmem>>, vector<16xi32>,
    tpu.vector_store %arg12[%swap3A_417, %swap3A_418], %broadcast_in_dim3A_7 {strides = array<i32>} : memref<8x128xi32, #tpu.memory_space<vmem>>, vector<16xi32>,
    %swap3A_420 = arith.constant 7 : i32
    %swap3A_421 = arith.index_cast %swap3A_420 : i32 to index
    %swap3A_422 = arith.constant 16 : index
    %swap3A_423 = tpu.vector_load %arg12[%swap3A_421, %swap3A_422] {strides = array<i32>} : memref<8x128xi32, #tpu.memory_space<vmem>>, vector<16xi32>,
    tpu.vector_store %arg12[%swap3A_421, %swap3A_422], %broadcast_in_dim3A_7 {strides = array<i32>} : memref<8x128xi32, #tpu.memory_space<vmem>>, vector<16xi32>,
    %add3A_424 = arith.constant 32 : i32
    %add3A_425 = vector.broadcast %add3A_424 : i32 to vector<16xi32>
    %add3A_426 = arith.addi %iota3A, %add3A_425 : vector<16xi32>
    %gather3A_427 = tpu.vector_load_idx %arg9[%add3A_426] : memref<128xi32, #tpu.memory_space<vmem>>[vector<16xi32>], vector<16xi32>,
    %gather3A_428 = tpu.vector_load_idx %arg8[%gather3A_427] : memref<10000xi32, #tpu.memory_space<vmem>>[vector<16xi32>], vector<16xi32>,
    %swap3A_429 = arith.constant 32 : index
    %swap3A_430 = tpu.vector_load %arg14[%swap3A_429] {strides = array<i32>} : memref<128xi32, #tpu.memory_space<vmem>>, vector<16xi32>,
    tpu.vector_store %arg14[%swap3A_429], %gather3A_428 {strides = array<i32>} : memref<128xi32, #tpu.memory_space<vmem>>, vector<16xi32>,
    %mul3A_431 = arith.constant 3 : i32
    %mul3A_432 = vector.broadcast %mul3A_431 : i32 to vector<16xi32>
    %mul3A_433 = arith.muli %gather3A_427, %mul3A_432 : vector<16xi32>
    %add3A_434 = arith.constant 0 : i32
    %add3A_435 = vector.broadcast %add3A_434 : i32 to vector<16xi32>
    %add3A_436 = arith.addi %mul3A_433, %add3A_435 : vector<16xi32>
    %swap3A_437 = arith.constant 0 : i32
    %swap3A_438 = arith.index_cast %swap3A_437 : i32 to index
    %swap3A_439 = arith.constant 32 : index
    %swap3A_440 = tpu.vector_load %arg12[%swap3A_438, %swap3A_439] {strides = array<i32>} : memref<8x128xi32, #tpu.memory_space<vmem>>, vector<16xi32>,
    tpu.vector_store %arg12[%swap3A_438, %swap3A_439], %add3A_436 {strides = array<i32>} : memref<8x128xi32, #tpu.memory_space<vmem>>, vector<16xi32>,
    %add3A_441 = arith.constant 1 : i32
    %add3A_442 = vector.broadcast %add3A_441 : i32 to vector<16xi32>
    %add3A_443 = arith.addi %mul3A_433, %add3A_442 : vector<16xi32>
    %swap3A_444 = arith.constant 1 : i32
    %swap3A_445 = arith.index_cast %swap3A_444 : i32 to index
    %swap3A_446 = arith.constant 32 : index
    %swap3A_447 = tpu.vector_load %arg12[%swap3A_445, %swap3A_446] {strides = array<i32>} : memref<8x128xi32, #tpu.memory_space<vmem>>, vector<16xi32>,
    tpu.vector_store %arg12[%swap3A_445, %swap3A_446], %add3A_443 {strides = array<i32>} : memref<8x128xi32, #tpu.memory_space<vmem>>, vector<16xi32>,
    %add3A_448 = arith.constant 2 : i32
    %add3A_449 = vector.broadcast %add3A_448 : i32 to vector<16xi32>
    %add3A_450 = arith.addi %mul3A_433, %add3A_449 : vector<16xi32>
    %swap3A_451 = arith.constant 2 : i32
    %swap3A_452 = arith.index_cast %swap3A_451 : i32 to index
    %swap3A_453 = arith.constant 32 : index
    %swap3A_454 = tpu.vector_load %arg12[%swap3A_452, %swap3A_453] {strides = array<i32>} : memref<8x128xi32, #tpu.memory_space<vmem>>, vector<16xi32>,
    tpu.vector_store %arg12[%swap3A_452, %swap3A_453], %add3A_450 {strides = array<i32>} : memref<8x128xi32, #tpu.memory_space<vmem>>, vector<16xi32>,
    %swap3A_455 = arith.constant 3 : i32
    %swap3A_456 = arith.index_cast %swap3A_455 : i32 to index
    %swap3A_457 = arith.constant 32 : index
    %swap3A_458 = tpu.vector_load %arg12[%swap3A_456, %swap3A_457] {strides = array<i32>} : memref<8x128xi32, #tpu.memory_space<vmem>>, vector<16xi32>,
    tpu.vector_store %arg12[%swap3A_456, %swap3A_457], %broadcast_in_dim3A_7 {strides = array<i32>} : memref<8x128xi32, #tpu.memory_space<vmem>>, vector<16xi32>,
    %swap3A_459 = arith.constant 4 : i32
    %swap3A_460 = arith.index_cast %swap3A_459 : i32 to index
    %swap3A_461 = arith.constant 32 : index
    %swap3A_462 = tpu.vector_load %arg12[%swap3A_460, %swap3A_461] {strides = array<i32>} : memref<8x128xi32, #tpu.memory_space<vmem>>, vector<16xi32>,
    tpu.vector_store %arg12[%swap3A_460, %swap3A_461], %broadcast_in_dim3A_7 {strides = array<i32>} : memref<8x128xi32, #tpu.memory_space<vmem>>, vector<16xi32>,
    %swap3A_463 = arith.constant 5 : i32
    %swap3A_464 = arith.index_cast %swap3A_463 : i32 to index
    %swap3A_465 = arith.constant 32 : index
    %swap3A_466 = tpu.vector_load %arg12[%swap3A_464, %swap3A_465] {strides = array<i32>} : memref<8x128xi32, #tpu.memory_space<vmem>>, vector<16xi32>,
    tpu.vector_store %arg12[%swap3A_464, %swap3A_465], %broadcast_in_dim3A_7 {strides = array<i32>} : memref<8x128xi32, #tpu.memory_space<vmem>>, vector<16xi32>,
    %swap3A_467 = arith.constant 6 : i32
    %swap3A_468 = arith.index_cast %swap3A_467 : i32 to index
    %swap3A_469 = arith.constant 32 : index
    %swap3A_470 = tpu.vector_load %arg12[%swap3A_468, %swap3A_469] {strides = array<i32>} : memref<8x128xi32, #tpu.memory_space<vmem>>, vector<16xi32>,
    tpu.vector_store %arg12[%swap3A_468, %swap3A_469], %broadcast_in_dim3A_7 {strides = array<i32>} : memref<8x128xi32, #tpu.memory_space<vmem>>, vector<16xi32>,
    %swap3A_471 = arith.constant 7 : i32
    %swap3A_472 = arith.index_cast %swap3A_471 : i32 to index
    %swap3A_473 = arith.constant 32 : index
    %swap3A_474 = tpu.vector_load %arg12[%swap3A_472, %swap3A_473] {strides = array<i32>} : memref<8x128xi32, #tpu.memory_space<vmem>>, vector<16xi32>,
    tpu.vector_store %arg12[%swap3A_472, %swap3A_473], %broadcast_in_dim3A_7 {strides = array<i32>} : memref<8x128xi32, #tpu.memory_space<vmem>>, vector<16xi32>,
    %add3A_475 = arith.constant 48 : i32
    %add3A_476 = vector.broadcast %add3A_475 : i32 to vector<16xi32>
    %add3A_477 = arith.addi %iota3A, %add3A_476 : vector<16xi32>
    %gather3A_478 = tpu.vector_load_idx %arg9[%add3A_477] : memref<128xi32, #tpu.memory_space<vmem>>[vector<16xi32>], vector<16xi32>,
    %gather3A_479 = tpu.vector_load_idx %arg8[%gather3A_478] : memref<10000xi32, #tpu.memory_space<vmem>>[vector<16xi32>], vector<16xi32>,
    %swap3A_480 = arith.constant 48 : index
    %swap3A_481 = tpu.vector_load %arg14[%swap3A_480] {strides = array<i32>} : memref<128xi32, #tpu.memory_space<vmem>>, vector<16xi32>,
    tpu.vector_store %arg14[%swap3A_480], %gather3A_479 {strides = array<i32>} : memref<128xi32, #tpu.memory_space<vmem>>, vector<16xi32>,
    %mul3A_482 = arith.constant 3 : i32
    %mul3A_483 = vector.broadcast %mul3A_482 : i32 to vector<16xi32>
    %mul3A_484 = arith.muli %gather3A_478, %mul3A_483 : vector<16xi32>
    %add3A_485 = arith.constant 0 : i32
    %add3A_486 = vector.broadcast %add3A_485 : i32 to vector<16xi32>
    %add3A_487 = arith.addi %mul3A_484, %add3A_486 : vector<16xi32>
    %swap3A_488 = arith.constant 0 : i32
    %swap3A_489 = arith.index_cast %swap3A_488 : i32 to index
    %swap3A_490 = arith.constant 48 : index
    %swap3A_491 = tpu.vector_load %arg12[%swap3A_489, %swap3A_490] {strides = array<i32>} : memref<8x128xi32, #tpu.memory_space<vmem>>, vector<16xi32>,
    tpu.vector_store %arg12[%swap3A_489, %swap3A_490], %add3A_487 {strides = array<i32>} : memref<8x128xi32, #tpu.memory_space<vmem>>, vector<16xi32>,
    %add3A_492 = arith.constant 1 : i32
    %add3A_493 = vector.broadcast %add3A_492 : i32 to vector<16xi32>
    %add3A_494 = arith.addi %mul3A_484, %add3A_493 : vector<16xi32>
    %swap3A_495 = arith.constant 1 : i32
    %swap3A_496 = arith.index_cast %swap3A_495 : i32 to index
    %swap3A_497 = arith.constant 48 : index
    %swap3A_498 = tpu.vector_load %arg12[%swap3A_496, %swap3A_497] {strides = array<i32>} : memref<8x128xi32, #tpu.memory_space<vmem>>, vector<16xi32>,
    tpu.vector_store %arg12[%swap3A_496, %swap3A_497], %add3A_494 {strides = array<i32>} : memref<8x128xi32, #tpu.memory_space<vmem>>, vector<16xi32>,
    %add3A_499 = arith.constant 2 : i32
    %add3A_500 = vector.broadcast %add3A_499 : i32 to vector<16xi32>
    %add3A_501 = arith.addi %mul3A_484, %add3A_500 : vector<16xi32>
    %swap3A_502 = arith.constant 2 : i32
    %swap3A_503 = arith.index_cast %swap3A_502 : i32 to index
    %swap3A_504 = arith.constant 48 : index
    %swap3A_505 = tpu.vector_load %arg12[%swap3A_503, %swap3A_504] {strides = array<i32>} : memref<8x128xi32, #tpu.memory_space<vmem>>, vector<16xi32>,
    tpu.vector_store %arg12[%swap3A_503, %swap3A_504], %add3A_501 {strides = array<i32>} : memref<8x128xi32, #tpu.memory_space<vmem>>, vector<16xi32>,
    %swap3A_506 = arith.constant 3 : i32
    %swap3A_507 = arith.index_cast %swap3A_506 : i32 to index
    %swap3A_508 = arith.constant 48 : index
    %swap3A_509 = tpu.vector_load %arg12[%swap3A_507, %swap3A_508] {strides = array<i32>} : memref<8x128xi32, #tpu.memory_space<vmem>>, vector<16xi32>,
    tpu.vector_store %arg12[%swap3A_507, %swap3A_508], %broadcast_in_dim3A_7 {strides = array<i32>} : memref<8x128xi32, #tpu.memory_space<vmem>>, vector<16xi32>,
    %swap3A_510 = arith.constant 4 : i32
    %swap3A_511 = arith.index_cast %swap3A_510 : i32 to index
    %swap3A_512 = arith.constant 48 : index
    %swap3A_513 = tpu.vector_load %arg12[%swap3A_511, %swap3A_512] {strides = array<i32>} : memref<8x128xi32, #tpu.memory_space<vmem>>, vector<16xi32>,
    tpu.vector_store %arg12[%swap3A_511, %swap3A_512], %broadcast_in_dim3A_7 {strides = array<i32>} : memref<8x128xi32, #tpu.memory_space<vmem>>, vector<16xi32>,
    %swap3A_514 = arith.constant 5 : i32
    %swap3A_515 = arith.index_cast %swap3A_514 : i32 to index
    %swap3A_516 = arith.constant 48 : index
    %swap3A_517 = tpu.vector_load %arg12[%swap3A_515, %swap3A_516] {strides = array<i32>} : memref<8x128xi32, #tpu.memory_space<vmem>>, vector<16xi32>,
    tpu.vector_store %arg12[%swap3A_515, %swap3A_516], %broadcast_in_dim3A_7 {strides = array<i32>} : memref<8x128xi32, #tpu.memory_space<vmem>>, vector<16xi32>,
    %swap3A_518 = arith.constant 6 : i32
    %swap3A_519 = arith.index_cast %swap3A_518 : i32 to index
    %swap3A_520 = arith.constant 48 : index
    %swap3A_521 = tpu.vector_load %arg12[%swap3A_519, %swap3A_520] {strides = array<i32>} : memref<8x128xi32, #tpu.memory_space<vmem>>, vector<16xi32>,
    tpu.vector_store %arg12[%swap3A_519, %swap3A_520], %broadcast_in_dim3A_7 {strides = array<i32>} : memref<8x128xi32, #tpu.memory_space<vmem>>, vector<16xi32>,
    %swap3A_522 = arith.constant 7 : i32
    %swap3A_523 = arith.index_cast %swap3A_522 : i32 to index
    %swap3A_524 = arith.constant 48 : index
    %swap3A_525 = tpu.vector_load %arg12[%swap3A_523, %swap3A_524] {strides = array<i32>} : memref<8x128xi32, #tpu.memory_space<vmem>>, vector<16xi32>,
    tpu.vector_store %arg12[%swap3A_523, %swap3A_524], %broadcast_in_dim3A_7 {strides = array<i32>} : memref<8x128xi32, #tpu.memory_space<vmem>>, vector<16xi32>,
    %add3A_526 = arith.constant 64 : i32
    %add3A_527 = vector.broadcast %add3A_526 : i32 to vector<16xi32>
    %add3A_528 = arith.addi %iota3A, %add3A_527 : vector<16xi32>
    %gather3A_529 = tpu.vector_load_idx %arg9[%add3A_528] : memref<128xi32, #tpu.memory_space<vmem>>[vector<16xi32>], vector<16xi32>,
    %gather3A_530 = tpu.vector_load_idx %arg8[%gather3A_529] : memref<10000xi32, #tpu.memory_space<vmem>>[vector<16xi32>], vector<16xi32>,
    %swap3A_531 = arith.constant 64 : index
    %swap3A_532 = tpu.vector_load %arg14[%swap3A_531] {strides = array<i32>} : memref<128xi32, #tpu.memory_space<vmem>>, vector<16xi32>,
    tpu.vector_store %arg14[%swap3A_531], %gather3A_530 {strides = array<i32>} : memref<128xi32, #tpu.memory_space<vmem>>, vector<16xi32>,
    %mul3A_533 = arith.constant 3 : i32
    %mul3A_534 = vector.broadcast %mul3A_533 : i32 to vector<16xi32>
    %mul3A_535 = arith.muli %gather3A_529, %mul3A_534 : vector<16xi32>
    %add3A_536 = arith.constant 0 : i32
    %add3A_537 = vector.broadcast %add3A_536 : i32 to vector<16xi32>
    %add3A_538 = arith.addi %mul3A_535, %add3A_537 : vector<16xi32>
    %swap3A_539 = arith.constant 0 : i32
    %swap3A_540 = arith.index_cast %swap3A_539 : i32 to index
    %swap3A_541 = arith.constant 64 : index
    %swap3A_542 = tpu.vector_load %arg12[%swap3A_540, %swap3A_541] {strides = array<i32>} : memref<8x128xi32, #tpu.memory_space<vmem>>, vector<16xi32>,
    tpu.vector_store %arg12[%swap3A_540, %swap3A_541], %add3A_538 {strides = array<i32>} : memref<8x128xi32, #tpu.memory_space<vmem>>, vector<16xi32>,
    %add3A_543 = arith.constant 1 : i32
    %add3A_544 = vector.broadcast %add3A_543 : i32 to vector<16xi32>
    %add3A_545 = arith.addi %mul3A_535, %add3A_544 : vector<16xi32>
    %swap3A_546 = arith.constant 1 : i32
    %swap3A_547 = arith.index_cast %swap3A_546 : i32 to index
    %swap3A_548 = arith.constant 64 : index
    %swap3A_549 = tpu.vector_load %arg12[%swap3A_547, %swap3A_548] {strides = array<i32>} : memref<8x128xi32, #tpu.memory_space<vmem>>, vector<16xi32>,
    tpu.vector_store %arg12[%swap3A_547, %swap3A_548], %add3A_545 {strides = array<i32>} : memref<8x128xi32, #tpu.memory_space<vmem>>, vector<16xi32>,
    %add3A_550 = arith.constant 2 : i32
    %add3A_551 = vector.broadcast %add3A_550 : i32 to vector<16xi32>
    %add3A_552 = arith.addi %mul3A_535, %add3A_551 : vector<16xi32>
    %swap3A_553 = arith.constant 2 : i32
    %swap3A_554 = arith.index_cast %swap3A_553 : i32 to index
    %swap3A_555 = arith.constant 64 : index
    %swap3A_556 = tpu.vector_load %arg12[%swap3A_554, %swap3A_555] {strides = array<i32>} : memref<8x128xi32, #tpu.memory_space<vmem>>, vector<16xi32>,
    tpu.vector_store %arg12[%swap3A_554, %swap3A_555], %add3A_552 {strides = array<i32>} : memref<8x128xi32, #tpu.memory_space<vmem>>, vector<16xi32>,
    %swap3A_557 = arith.constant 3 : i32
    %swap3A_558 = arith.index_cast %swap3A_557 : i32 to index
    %swap3A_559 = arith.constant 64 : index
    %swap3A_560 = tpu.vector_load %arg12[%swap3A_558, %swap3A_559] {strides = array<i32>} : memref<8x128xi32, #tpu.memory_space<vmem>>, vector<16xi32>,
    tpu.vector_store %arg12[%swap3A_558, %swap3A_559], %broadcast_in_dim3A_7 {strides = array<i32>} : memref<8x128xi32, #tpu.memory_space<vmem>>, vector<16xi32>,
    %swap3A_561 = arith.constant 4 : i32
    %swap3A_562 = arith.index_cast %swap3A_561 : i32 to index
    %swap3A_563 = arith.constant 64 : index
    %swap3A_564 = tpu.vector_load %arg12[%swap3A_562, %swap3A_563] {strides = array<i32>} : memref<8x128xi32, #tpu.memory_space<vmem>>, vector<16xi32>,
    tpu.vector_store %arg12[%swap3A_562, %swap3A_563], %broadcast_in_dim3A_7 {strides = array<i32>} : memref<8x128xi32, #tpu.memory_space<vmem>>, vector<16xi32>,
    %swap3A_565 = arith.constant 5 : i32
    %swap3A_566 = arith.index_cast %swap3A_565 : i32 to index
    %swap3A_567 = arith.constant 64 : index
    %swap3A_568 = tpu.vector_load %arg12[%swap3A_566, %swap3A_567] {strides = array<i32>} : memref<8x128xi32, #tpu.memory_space<vmem>>, vector<16xi32>,
    tpu.vector_store %arg12[%swap3A_566, %swap3A_567], %broadcast_in_dim3A_7 {strides = array<i32>} : memref<8x128xi32, #tpu.memory_space<vmem>>, vector<16xi32>,
    %swap3A_569 = arith.constant 6 : i32
    %swap3A_570 = arith.index_cast %swap3A_569 : i32 to index
    %swap3A_571 = arith.constant 64 : index
    %swap3A_572 = tpu.vector_load %arg12[%swap3A_570, %swap3A_571] {strides = array<i32>} : memref<8x128xi32, #tpu.memory_space<vmem>>, vector<16xi32>,
    tpu.vector_store %arg12[%swap3A_570, %swap3A_571], %broadcast_in_dim3A_7 {strides = array<i32>} : memref<8x128xi32, #tpu.memory_space<vmem>>, vector<16xi32>,
    %swap3A_573 = arith.constant 7 : i32
    %swap3A_574 = arith.index_cast %swap3A_573 : i32 to index
    %swap3A_575 = arith.constant 64 : index
    %swap3A_576 = tpu.vector_load %arg12[%swap3A_574, %swap3A_575] {strides = array<i32>} : memref<8x128xi32, #tpu.memory_space<vmem>>, vector<16xi32>,
    tpu.vector_store %arg12[%swap3A_574, %swap3A_575], %broadcast_in_dim3A_7 {strides = array<i32>} : memref<8x128xi32, #tpu.memory_space<vmem>>, vector<16xi32>,
    %add3A_577 = arith.constant 80 : i32
    %add3A_578 = vector.broadcast %add3A_577 : i32 to vector<16xi32>
    %add3A_579 = arith.addi %iota3A, %add3A_578 : vector<16xi32>
    %gather3A_580 = tpu.vector_load_idx %arg9[%add3A_579] : memref<128xi32, #tpu.memory_space<vmem>>[vector<16xi32>], vector<16xi32>,
    %gather3A_581 = tpu.vector_load_idx %arg8[%gather3A_580] : memref<10000xi32, #tpu.memory_space<vmem>>[vector<16xi32>], vector<16xi32>,
    %swap3A_582 = arith.constant 80 : index
    %swap3A_583 = tpu.vector_load %arg14[%swap3A_582] {strides = array<i32>} : memref<128xi32, #tpu.memory_space<vmem>>, vector<16xi32>,
    tpu.vector_store %arg14[%swap3A_582], %gather3A_581 {strides = array<i32>} : memref<128xi32, #tpu.memory_space<vmem>>, vector<16xi32>,
    %mul3A_584 = arith.constant 3 : i32
    %mul3A_585 = vector.broadcast %mul3A_584 : i32 to vector<16xi32>
    %mul3A_586 = arith.muli %gather3A_580, %mul3A_585 : vector<16xi32>
    %add3A_587 = arith.constant 0 : i32
    %add3A_588 = vector.broadcast %add3A_587 : i32 to vector<16xi32>
    %add3A_589 = arith.addi %mul3A_586, %add3A_588 : vector<16xi32>
    %swap3A_590 = arith.constant 0 : i32
    %swap3A_591 = arith.index_cast %swap3A_590 : i32 to index
    %swap3A_592 = arith.constant 80 : index
    %swap3A_593 = tpu.vector_load %arg12[%swap3A_591, %swap3A_592] {strides = array<i32>} : memref<8x128xi32, #tpu.memory_space<vmem>>, vector<16xi32>,
    tpu.vector_store %arg12[%swap3A_591, %swap3A_592], %add3A_589 {strides = array<i32>} : memref<8x128xi32, #tpu.memory_space<vmem>>, vector<16xi32>,
    %add3A_594 = arith.constant 1 : i32
    %add3A_595 = vector.broadcast %add3A_594 : i32 to vector<16xi32>
    %add3A_596 = arith.addi %mul3A_586, %add3A_595 : vector<16xi32>
    %swap3A_597 = arith.constant 1 : i32
    %swap3A_598 = arith.index_cast %swap3A_597 : i32 to index
    %swap3A_599 = arith.constant 80 : index
    %swap3A_600 = tpu.vector_load %arg12[%swap3A_598, %swap3A_599] {strides = array<i32>} : memref<8x128xi32, #tpu.memory_space<vmem>>, vector<16xi32>,
    tpu.vector_store %arg12[%swap3A_598, %swap3A_599], %add3A_596 {strides = array<i32>} : memref<8x128xi32, #tpu.memory_space<vmem>>, vector<16xi32>,
    %add3A_601 = arith.constant 2 : i32
    %add3A_602 = vector.broadcast %add3A_601 : i32 to vector<16xi32>
    %add3A_603 = arith.addi %mul3A_586, %add3A_602 : vector<16xi32>
    %swap3A_604 = arith.constant 2 : i32
    %swap3A_605 = arith.index_cast %swap3A_604 : i32 to index
    %swap3A_606 = arith.constant 80 : index
    %swap3A_607 = tpu.vector_load %arg12[%swap3A_605, %swap3A_606] {strides = array<i32>} : memref<8x128xi32, #tpu.memory_space<vmem>>, vector<16xi32>,
    tpu.vector_store %arg12[%swap3A_605, %swap3A_606], %add3A_603 {strides = array<i32>} : memref<8x128xi32, #tpu.memory_space<vmem>>, vector<16xi32>,
    %swap3A_608 = arith.constant 3 : i32
    %swap3A_609 = arith.index_cast %swap3A_608 : i32 to index
    %swap3A_610 = arith.constant 80 : index
    %swap3A_611 = tpu.vector_load %arg12[%swap3A_609, %swap3A_610] {strides = array<i32>} : memref<8x128xi32, #tpu.memory_space<vmem>>, vector<16xi32>,
    tpu.vector_store %arg12[%swap3A_609, %swap3A_610], %broadcast_in_dim3A_7 {strides = array<i32>} : memref<8x128xi32, #tpu.memory_space<vmem>>, vector<16xi32>,
    %swap3A_612 = arith.constant 4 : i32
    %swap3A_613 = arith.index_cast %swap3A_612 : i32 to index
    %swap3A_614 = arith.constant 80 : index
    %swap3A_615 = tpu.vector_load %arg12[%swap3A_613, %swap3A_614] {strides = array<i32>} : memref<8x128xi32, #tpu.memory_space<vmem>>, vector<16xi32>,
    tpu.vector_store %arg12[%swap3A_613, %swap3A_614], %broadcast_in_dim3A_7 {strides = array<i32>} : memref<8x128xi32, #tpu.memory_space<vmem>>, vector<16xi32>,
    %swap3A_616 = arith.constant 5 : i32
    %swap3A_617 = arith.index_cast %swap3A_616 : i32 to index
    %swap3A_618 = arith.constant 80 : index
    %swap3A_619 = tpu.vector_load %arg12[%swap3A_617, %swap3A_618] {strides = array<i32>} : memref<8x128xi32, #tpu.memory_space<vmem>>, vector<16xi32>,
    tpu.vector_store %arg12[%swap3A_617, %swap3A_618], %broadcast_in_dim3A_7 {strides = array<i32>} : memref<8x128xi32, #tpu.memory_space<vmem>>, vector<16xi32>,
    %swap3A_620 = arith.constant 6 : i32
    %swap3A_621 = arith.index_cast %swap3A_620 : i32 to index
    %swap3A_622 = arith.constant 80 : index
    %swap3A_623 = tpu.vector_load %arg12[%swap3A_621, %swap3A_622] {strides = array<i32>} : memref<8x128xi32, #tpu.memory_space<vmem>>, vector<16xi32>,
    tpu.vector_store %arg12[%swap3A_621, %swap3A_622], %broadcast_in_dim3A_7 {strides = array<i32>} : memref<8x128xi32, #tpu.memory_space<vmem>>, vector<16xi32>,
    %swap3A_624 = arith.constant 7 : i32
    %swap3A_625 = arith.index_cast %swap3A_624 : i32 to index
    %swap3A_626 = arith.constant 80 : index
    %swap3A_627 = tpu.vector_load %arg12[%swap3A_625, %swap3A_626] {strides = array<i32>} : memref<8x128xi32, #tpu.memory_space<vmem>>, vector<16xi32>,
    tpu.vector_store %arg12[%swap3A_625, %swap3A_626], %broadcast_in_dim3A_7 {strides = array<i32>} : memref<8x128xi32, #tpu.memory_space<vmem>>, vector<16xi32>,
    %add3A_628 = arith.constant 96 : i32
    %add3A_629 = vector.broadcast %add3A_628 : i32 to vector<16xi32>
    %add3A_630 = arith.addi %iota3A, %add3A_629 : vector<16xi32>
    %gather3A_631 = tpu.vector_load_idx %arg9[%add3A_630] : memref<128xi32, #tpu.memory_space<vmem>>[vector<16xi32>], vector<16xi32>,
    %gather3A_632 = tpu.vector_load_idx %arg8[%gather3A_631] : memref<10000xi32, #tpu.memory_space<vmem>>[vector<16xi32>], vector<16xi32>,
    %swap3A_633 = arith.constant 96 : index
    %swap3A_634 = tpu.vector_load %arg14[%swap3A_633] {strides = array<i32>} : memref<128xi32, #tpu.memory_space<vmem>>, vector<16xi32>,
    tpu.vector_store %arg14[%swap3A_633], %gather3A_632 {strides = array<i32>} : memref<128xi32, #tpu.memory_space<vmem>>, vector<16xi32>,
    %mul3A_635 = arith.constant 3 : i32
    %mul3A_636 = vector.broadcast %mul3A_635 : i32 to vector<16xi32>
    %mul3A_637 = arith.muli %gather3A_631, %mul3A_636 : vector<16xi32>
    %add3A_638 = arith.constant 0 : i32
    %add3A_639 = vector.broadcast %add3A_638 : i32 to vector<16xi32>
    %add3A_640 = arith.addi %mul3A_637, %add3A_639 : vector<16xi32>
    %swap3A_641 = arith.constant 0 : i32
    %swap3A_642 = arith.index_cast %swap3A_641 : i32 to index
    %swap3A_643 = arith.constant 96 : index
    %swap3A_644 = tpu.vector_load %arg12[%swap3A_642, %swap3A_643] {strides = array<i32>} : memref<8x128xi32, #tpu.memory_space<vmem>>, vector<16xi32>,
    tpu.vector_store %arg12[%swap3A_642, %swap3A_643], %add3A_640 {strides = array<i32>} : memref<8x128xi32, #tpu.memory_space<vmem>>, vector<16xi32>,
    %add3A_645 = arith.constant 1 : i32
    %add3A_646 = vector.broadcast %add3A_645 : i32 to vector<16xi32>
    %add3A_647 = arith.addi %mul3A_637, %add3A_646 : vector<16xi32>
    %swap3A_648 = arith.constant 1 : i32
    %swap3A_649 = arith.index_cast %swap3A_648 : i32 to index
    %swap3A_650 = arith.constant 96 : index
    %swap3A_651 = tpu.vector_load %arg12[%swap3A_649, %swap3A_650] {strides = array<i32>} : memref<8x128xi32, #tpu.memory_space<vmem>>, vector<16xi32>,
    tpu.vector_store %arg12[%swap3A_649, %swap3A_650], %add3A_647 {strides = array<i32>} : memref<8x128xi32, #tpu.memory_space<vmem>>, vector<16xi32>,
    %add3A_652 = arith.constant 2 : i32
    %add3A_653 = vector.broadcast %add3A_652 : i32 to vector<16xi32>
    %add3A_654 = arith.addi %mul3A_637, %add3A_653 : vector<16xi32>
    %swap3A_655 = arith.constant 2 : i32
    %swap3A_656 = arith.index_cast %swap3A_655 : i32 to index
    %swap3A_657 = arith.constant 96 : index
    %swap3A_658 = tpu.vector_load %arg12[%swap3A_656, %swap3A_657] {strides = array<i32>} : memref<8x128xi32, #tpu.memory_space<vmem>>, vector<16xi32>,
    tpu.vector_store %arg12[%swap3A_656, %swap3A_657], %add3A_654 {strides = array<i32>} : memref<8x128xi32, #tpu.memory_space<vmem>>, vector<16xi32>,
    %swap3A_659 = arith.constant 3 : i32
    %swap3A_660 = arith.index_cast %swap3A_659 : i32 to index
    %swap3A_661 = arith.constant 96 : index
    %swap3A_662 = tpu.vector_load %arg12[%swap3A_660, %swap3A_661] {strides = array<i32>} : memref<8x128xi32, #tpu.memory_space<vmem>>, vector<16xi32>,
    tpu.vector_store %arg12[%swap3A_660, %swap3A_661], %broadcast_in_dim3A_7 {strides = array<i32>} : memref<8x128xi32, #tpu.memory_space<vmem>>, vector<16xi32>,
    %swap3A_663 = arith.constant 4 : i32
    %swap3A_664 = arith.index_cast %swap3A_663 : i32 to index
    %swap3A_665 = arith.constant 96 : index
    %swap3A_666 = tpu.vector_load %arg12[%swap3A_664, %swap3A_665] {strides = array<i32>} : memref<8x128xi32, #tpu.memory_space<vmem>>, vector<16xi32>,
    tpu.vector_store %arg12[%swap3A_664, %swap3A_665], %broadcast_in_dim3A_7 {strides = array<i32>} : memref<8x128xi32, #tpu.memory_space<vmem>>, vector<16xi32>,
    %swap3A_667 = arith.constant 5 : i32
    %swap3A_668 = arith.index_cast %swap3A_667 : i32 to index
    %swap3A_669 = arith.constant 96 : index
    %swap3A_670 = tpu.vector_load %arg12[%swap3A_668, %swap3A_669] {strides = array<i32>} : memref<8x128xi32, #tpu.memory_space<vmem>>, vector<16xi32>,
    tpu.vector_store %arg12[%swap3A_668, %swap3A_669], %broadcast_in_dim3A_7 {strides = array<i32>} : memref<8x128xi32, #tpu.memory_space<vmem>>, vector<16xi32>,
    %swap3A_671 = arith.constant 6 : i32
    %swap3A_672 = arith.index_cast %swap3A_671 : i32 to index
    %swap3A_673 = arith.constant 96 : index
    %swap3A_674 = tpu.vector_load %arg12[%swap3A_672, %swap3A_673] {strides = array<i32>} : memref<8x128xi32, #tpu.memory_space<vmem>>, vector<16xi32>,
    tpu.vector_store %arg12[%swap3A_672, %swap3A_673], %broadcast_in_dim3A_7 {strides = array<i32>} : memref<8x128xi32, #tpu.memory_space<vmem>>, vector<16xi32>,
    %swap3A_675 = arith.constant 7 : i32
    %swap3A_676 = arith.index_cast %swap3A_675 : i32 to index
    %swap3A_677 = arith.constant 96 : index
    %swap3A_678 = tpu.vector_load %arg12[%swap3A_676, %swap3A_677] {strides = array<i32>} : memref<8x128xi32, #tpu.memory_space<vmem>>, vector<16xi32>,
    tpu.vector_store %arg12[%swap3A_676, %swap3A_677], %broadcast_in_dim3A_7 {strides = array<i32>} : memref<8x128xi32, #tpu.memory_space<vmem>>, vector<16xi32>,
    %add3A_679 = arith.constant 112 : i32
    %add3A_680 = vector.broadcast %add3A_679 : i32 to vector<16xi32>
    %add3A_681 = arith.addi %iota3A, %add3A_680 : vector<16xi32>
    %gather3A_682 = tpu.vector_load_idx %arg9[%add3A_681] : memref<128xi32, #tpu.memory_space<vmem>>[vector<16xi32>], vector<16xi32>,
    %gather3A_683 = tpu.vector_load_idx %arg8[%gather3A_682] : memref<10000xi32, #tpu.memory_space<vmem>>[vector<16xi32>], vector<16xi32>,
    %swap3A_684 = arith.constant 112 : index
    %swap3A_685 = tpu.vector_load %arg14[%swap3A_684] {strides = array<i32>} : memref<128xi32, #tpu.memory_space<vmem>>, vector<16xi32>,
    tpu.vector_store %arg14[%swap3A_684], %gather3A_683 {strides = array<i32>} : memref<128xi32, #tpu.memory_space<vmem>>, vector<16xi32>,
    %mul3A_686 = arith.constant 3 : i32
    %mul3A_687 = vector.broadcast %mul3A_686 : i32 to vector<16xi32>
    %mul3A_688 = arith.muli %gather3A_682, %mul3A_687 : vector<16xi32>
    %add3A_689 = arith.constant 0 : i32
    %add3A_690 = vector.broadcast %add3A_689 : i32 to vector<16xi32>
    %add3A_691 = arith.addi %mul3A_688, %add3A_690 : vector<16xi32>
    %swap3A_692 = arith.constant 0 : i32
    %swap3A_693 = arith.index_cast %swap3A_692 : i32 to index
    %swap3A_694 = arith.constant 112 : index
    %swap3A_695 = tpu.vector_load %arg12[%swap3A_693, %swap3A_694] {strides = array<i32>} : memref<8x128xi32, #tpu.memory_space<vmem>>, vector<16xi32>,
    tpu.vector_store %arg12[%swap3A_693, %swap3A_694], %add3A_691 {strides = array<i32>} : memref<8x128xi32, #tpu.memory_space<vmem>>, vector<16xi32>,
    %add3A_696 = arith.constant 1 : i32
    %add3A_697 = vector.broadcast %add3A_696 : i32 to vector<16xi32>
    %add3A_698 = arith.addi %mul3A_688, %add3A_697 : vector<16xi32>
    %swap3A_699 = arith.constant 1 : i32
    %swap3A_700 = arith.index_cast %swap3A_699 : i32 to index
    %swap3A_701 = arith.constant 112 : index
    %swap3A_702 = tpu.vector_load %arg12[%swap3A_700, %swap3A_701] {strides = array<i32>} : memref<8x128xi32, #tpu.memory_space<vmem>>, vector<16xi32>,
    tpu.vector_store %arg12[%swap3A_700, %swap3A_701], %add3A_698 {strides = array<i32>} : memref<8x128xi32, #tpu.memory_space<vmem>>, vector<16xi32>,
    %add3A_703 = arith.constant 2 : i32
    %add3A_704 = vector.broadcast %add3A_703 : i32 to vector<16xi32>
    %add3A_705 = arith.addi %mul3A_688, %add3A_704 : vector<16xi32>
    %swap3A_706 = arith.constant 2 : i32
    %swap3A_707 = arith.index_cast %swap3A_706 : i32 to index
    %swap3A_708 = arith.constant 112 : index
    %swap3A_709 = tpu.vector_load %arg12[%swap3A_707, %swap3A_708] {strides = array<i32>} : memref<8x128xi32, #tpu.memory_space<vmem>>, vector<16xi32>,
    tpu.vector_store %arg12[%swap3A_707, %swap3A_708], %add3A_705 {strides = array<i32>} : memref<8x128xi32, #tpu.memory_space<vmem>>, vector<16xi32>,
    %swap3A_710 = arith.constant 3 : i32
    %swap3A_711 = arith.index_cast %swap3A_710 : i32 to index
    %swap3A_712 = arith.constant 112 : index
    %swap3A_713 = tpu.vector_load %arg12[%swap3A_711, %swap3A_712] {strides = array<i32>} : memref<8x128xi32, #tpu.memory_space<vmem>>, vector<16xi32>,
    tpu.vector_store %arg12[%swap3A_711, %swap3A_712], %broadcast_in_dim3A_7 {strides = array<i32>} : memref<8x128xi32, #tpu.memory_space<vmem>>, vector<16xi32>,
    %swap3A_714 = arith.constant 4 : i32
    %swap3A_715 = arith.index_cast %swap3A_714 : i32 to index
    %swap3A_716 = arith.constant 112 : index
    %swap3A_717 = tpu.vector_load %arg12[%swap3A_715, %swap3A_716] {strides = array<i32>} : memref<8x128xi32, #tpu.memory_space<vmem>>, vector<16xi32>,
    tpu.vector_store %arg12[%swap3A_715, %swap3A_716], %broadcast_in_dim3A_7 {strides = array<i32>} : memref<8x128xi32, #tpu.memory_space<vmem>>, vector<16xi32>,
    %swap3A_718 = arith.constant 5 : i32
    %swap3A_719 = arith.index_cast %swap3A_718 : i32 to index
    %swap3A_720 = arith.constant 112 : index
    %swap3A_721 = tpu.vector_load %arg12[%swap3A_719, %swap3A_720] {strides = array<i32>} : memref<8x128xi32, #tpu.memory_space<vmem>>, vector<16xi32>,
    tpu.vector_store %arg12[%swap3A_719, %swap3A_720], %broadcast_in_dim3A_7 {strides = array<i32>} : memref<8x128xi32, #tpu.memory_space<vmem>>, vector<16xi32>,
    %swap3A_722 = arith.constant 6 : i32
    %swap3A_723 = arith.index_cast %swap3A_722 : i32 to index
    %swap3A_724 = arith.constant 112 : index
    %swap3A_725 = tpu.vector_load %arg12[%swap3A_723, %swap3A_724] {strides = array<i32>} : memref<8x128xi32, #tpu.memory_space<vmem>>, vector<16xi32>,
    tpu.vector_store %arg12[%swap3A_723, %swap3A_724], %broadcast_in_dim3A_7 {strides = array<i32>} : memref<8x128xi32, #tpu.memory_space<vmem>>, vector<16xi32>,
    %swap3A_726 = arith.constant 7 : i32
    %swap3A_727 = arith.index_cast %swap3A_726 : i32 to index
    %swap3A_728 = arith.constant 112 : index
    %swap3A_729 = tpu.vector_load %arg12[%swap3A_727, %swap3A_728] {strides = array<i32>} : memref<8x128xi32, #tpu.memory_space<vmem>>, vector<16xi32>,
    tpu.vector_store %arg12[%swap3A_727, %swap3A_728], %broadcast_in_dim3A_7 {strides = array<i32>} : memref<8x128xi32, #tpu.memory_space<vmem>>, vector<16xi32>,
    %dma_start3A_730 = arith.constant 0 : i32
    %dma_start3A_731 = arith.constant 0 : i32
    %dma_start3A_732 = arith.constant 0 : i32
    %dma_start3A_733 = tpu.memref_slice %arg13[%dma_start3A_731, %dma_start3A_732] : memref<8x128xf32, #tpu.memory_space<vmem>> -> memref<1x128xf32, #tpu.memory_space<vmem>>
    %dma_start3A_734 = tpu.memref_squeeze %dma_start3A_733 : memref<1x128xf32, #tpu.memory_space<vmem>> -> memref<128xf32, #tpu.memory_space<vmem>>
    %dma_start3A_735 = arith.constant 0 : i32
    %dma_start3A_736 = tpu.memref_slice %arg12[%dma_start3A_730, %dma_start3A_735] : memref<8x128xi32, #tpu.memory_space<vmem>> -> memref<1x128xi32, #tpu.memory_space<vmem>>
    %dma_start3A_737 = tpu.memref_squeeze %dma_start3A_736 : memref<1x128xi32, #tpu.memory_space<vmem>> -> memref<128xi32, #tpu.memory_space<vmem>>
    %dma_start3A_738 = arith.constant 0 : i32
    %dma_start3A_739 = tpu.memref_slice %arg16[%dma_start3A_738] : memref<30208xf32, #tpu.memory_space<vmem_shared>> -> memref<30208xf32, #tpu.memory_space<vmem_shared>>
    tpu.enqueue_indirect_dma source(%dma_start3A_739 : memref<30208xf32, #tpu.memory_space<vmem_shared>>) target(%dma_start3A_734 : memref<128xf32, #tpu.memory_space<vmem>>) offsets(%dma_start3A_737 : memref<128xi32, #tpu.memory_space<vmem>>) semaphore(%arg19 : memref<!tpu.dma_semaphore, #tpu.memory_space<semaphore_mem>>)
    %dma_start3A_740 = arith.constant 1 : i32
    %dma_start3A_741 = arith.constant 1 : i32
    %dma_start3A_742 = arith.constant 0 : i32
    %dma_start3A_743 = tpu.memref_slice %arg13[%dma_start3A_741, %dma_start3A_742] : memref<8x128xf32, #tpu.memory_space<vmem>> -> memref<1x128xf32, #tpu.memory_space<vmem>>
    %dma_start3A_744 = tpu.memref_squeeze %dma_start3A_743 : memref<1x128xf32, #tpu.memory_space<vmem>> -> memref<128xf32, #tpu.memory_space<vmem>>
    %dma_start3A_745 = arith.constant 0 : i32
    %dma_start3A_746 = tpu.memref_slice %arg12[%dma_start3A_740, %dma_start3A_745] : memref<8x128xi32, #tpu.memory_space<vmem>> -> memref<1x128xi32, #tpu.memory_space<vmem>>
    %dma_start3A_747 = tpu.memref_squeeze %dma_start3A_746 : memref<1x128xi32, #tpu.memory_space<vmem>> -> memref<128xi32, #tpu.memory_space<vmem>>
    %dma_start3A_748 = arith.constant 0 : i32
    %dma_start3A_749 = tpu.memref_slice %arg16[%dma_start3A_748] : memref<30208xf32, #tpu.memory_space<vmem_shared>> -> memref<30208xf32, #tpu.memory_space<vmem_shared>>
    tpu.enqueue_indirect_dma source(%dma_start3A_749 : memref<30208xf32, #tpu.memory_space<vmem_shared>>) target(%dma_start3A_744 : memref<128xf32, #tpu.memory_space<vmem>>) offsets(%dma_start3A_747 : memref<128xi32, #tpu.memory_space<vmem>>) semaphore(%arg19 : memref<!tpu.dma_semaphore, #tpu.memory_space<semaphore_mem>>)
    %dma_start3A_750 = arith.constant 2 : i32
    %dma_start3A_751 = arith.constant 2 : i32
    %dma_start3A_752 = arith.constant 0 : i32
    %dma_start3A_753 = tpu.memref_slice %arg13[%dma_start3A_751, %dma_start3A_752] : memref<8x128xf32, #tpu.memory_space<vmem>> -> memref<1x128xf32, #tpu.memory_space<vmem>>
    %dma_start3A_754 = tpu.memref_squeeze %dma_start3A_753 : memref<1x128xf32, #tpu.memory_space<vmem>> -> memref<128xf32, #tpu.memory_space<vmem>>
    %dma_start3A_755 = arith.constant 0 : i32
    %dma_start3A_756 = tpu.memref_slice %arg12[%dma_start3A_750, %dma_start3A_755] : memref<8x128xi32, #tpu.memory_space<vmem>> -> memref<1x128xi32, #tpu.memory_space<vmem>>
    %dma_start3A_757 = tpu.memref_squeeze %dma_start3A_756 : memref<1x128xi32, #tpu.memory_space<vmem>> -> memref<128xi32, #tpu.memory_space<vmem>>
    %dma_start3A_758 = arith.constant 0 : i32
    %dma_start3A_759 = tpu.memref_slice %arg16[%dma_start3A_758] : memref<30208xf32, #tpu.memory_space<vmem_shared>> -> memref<30208xf32, #tpu.memory_space<vmem_shared>>
    tpu.enqueue_indirect_dma source(%dma_start3A_759 : memref<30208xf32, #tpu.memory_space<vmem_shared>>) target(%dma_start3A_754 : memref<128xf32, #tpu.memory_space<vmem>>) offsets(%dma_start3A_757 : memref<128xi32, #tpu.memory_space<vmem>>) semaphore(%arg19 : memref<!tpu.dma_semaphore, #tpu.memory_space<semaphore_mem>>)
    %dma_start3A_760 = arith.constant 3 : i32
    %dma_start3A_761 = arith.constant 3 : i32
    %dma_start3A_762 = arith.constant 0 : i32
    %dma_start3A_763 = tpu.memref_slice %arg13[%dma_start3A_761, %dma_start3A_762] : memref<8x128xf32, #tpu.memory_space<vmem>> -> memref<1x128xf32, #tpu.memory_space<vmem>>
    %dma_start3A_764 = tpu.memref_squeeze %dma_start3A_763 : memref<1x128xf32, #tpu.memory_space<vmem>> -> memref<128xf32, #tpu.memory_space<vmem>>
    %dma_start3A_765 = arith.constant 0 : i32
    %dma_start3A_766 = tpu.memref_slice %arg12[%dma_start3A_760, %dma_start3A_765] : memref<8x128xi32, #tpu.memory_space<vmem>> -> memref<1x128xi32, #tpu.memory_space<vmem>>
    %dma_start3A_767 = tpu.memref_squeeze %dma_start3A_766 : memref<1x128xi32, #tpu.memory_space<vmem>> -> memref<128xi32, #tpu.memory_space<vmem>>
    %dma_start3A_768 = arith.constant 0 : i32
    %dma_start3A_769 = tpu.memref_slice %arg16[%dma_start3A_768] : memref<30208xf32, #tpu.memory_space<vmem_shared>> -> memref<30208xf32, #tpu.memory_space<vmem_shared>>
    tpu.enqueue_indirect_dma source(%dma_start3A_769 : memref<30208xf32, #tpu.memory_space<vmem_shared>>) target(%dma_start3A_764 : memref<128xf32, #tpu.memory_space<vmem>>) offsets(%dma_start3A_767 : memref<128xi32, #tpu.memory_space<vmem>>) semaphore(%arg19 : memref<!tpu.dma_semaphore, #tpu.memory_space<semaphore_mem>>)
    %dma_start3A_770 = arith.constant 4 : i32
    %dma_start3A_771 = arith.constant 4 : i32
    %dma_start3A_772 = arith.constant 0 : i32
    %dma_start3A_773 = tpu.memref_slice %arg13[%dma_start3A_771, %dma_start3A_772] : memref<8x128xf32, #tpu.memory_space<vmem>> -> memref<1x128xf32, #tpu.memory_space<vmem>>
    %dma_start3A_774 = tpu.memref_squeeze %dma_start3A_773 : memref<1x128xf32, #tpu.memory_space<vmem>> -> memref<128xf32, #tpu.memory_space<vmem>>
    %dma_start3A_775 = arith.constant 0 : i32
    %dma_start3A_776 = tpu.memref_slice %arg12[%dma_start3A_770, %dma_start3A_775] : memref<8x128xi32, #tpu.memory_space<vmem>> -> memref<1x128xi32, #tpu.memory_space<vmem>>
    %dma_start3A_777 = tpu.memref_squeeze %dma_start3A_776 : memref<1x128xi32, #tpu.memory_space<vmem>> -> memref<128xi32, #tpu.memory_space<vmem>>
    %dma_start3A_778 = arith.constant 0 : i32
    %dma_start3A_779 = tpu.memref_slice %arg16[%dma_start3A_778] : memref<30208xf32, #tpu.memory_space<vmem_shared>> -> memref<30208xf32, #tpu.memory_space<vmem_shared>>
    tpu.enqueue_indirect_dma source(%dma_start3A_779 : memref<30208xf32, #tpu.memory_space<vmem_shared>>) target(%dma_start3A_774 : memref<128xf32, #tpu.memory_space<vmem>>) offsets(%dma_start3A_777 : memref<128xi32, #tpu.memory_space<vmem>>) semaphore(%arg19 : memref<!tpu.dma_semaphore, #tpu.memory_space<semaphore_mem>>)
    %dma_start3A_780 = arith.constant 5 : i32
    %dma_start3A_781 = arith.constant 5 : i32
    %dma_start3A_782 = arith.constant 0 : i32
    %dma_start3A_783 = tpu.memref_slice %arg13[%dma_start3A_781, %dma_start3A_782] : memref<8x128xf32, #tpu.memory_space<vmem>> -> memref<1x128xf32, #tpu.memory_space<vmem>>
    %dma_start3A_784 = tpu.memref_squeeze %dma_start3A_783 : memref<1x128xf32, #tpu.memory_space<vmem>> -> memref<128xf32, #tpu.memory_space<vmem>>
    %dma_start3A_785 = arith.constant 0 : i32
    %dma_start3A_786 = tpu.memref_slice %arg12[%dma_start3A_780, %dma_start3A_785] : memref<8x128xi32, #tpu.memory_space<vmem>> -> memref<1x128xi32, #tpu.memory_space<vmem>>
    %dma_start3A_787 = tpu.memref_squeeze %dma_start3A_786 : memref<1x128xi32, #tpu.memory_space<vmem>> -> memref<128xi32, #tpu.memory_space<vmem>>
    %dma_start3A_788 = arith.constant 0 : i32
    %dma_start3A_789 = tpu.memref_slice %arg16[%dma_start3A_788] : memref<30208xf32, #tpu.memory_space<vmem_shared>> -> memref<30208xf32, #tpu.memory_space<vmem_shared>>
    tpu.enqueue_indirect_dma source(%dma_start3A_789 : memref<30208xf32, #tpu.memory_space<vmem_shared>>) target(%dma_start3A_784 : memref<128xf32, #tpu.memory_space<vmem>>) offsets(%dma_start3A_787 : memref<128xi32, #tpu.memory_space<vmem>>) semaphore(%arg19 : memref<!tpu.dma_semaphore, #tpu.memory_space<semaphore_mem>>)
    %dma_start3A_790 = arith.constant 6 : i32
    %dma_start3A_791 = arith.constant 6 : i32
    %dma_start3A_792 = arith.constant 0 : i32
    %dma_start3A_793 = tpu.memref_slice %arg13[%dma_start3A_791, %dma_start3A_792] : memref<8x128xf32, #tpu.memory_space<vmem>> -> memref<1x128xf32, #tpu.memory_space<vmem>>
    %dma_start3A_794 = tpu.memref_squeeze %dma_start3A_793 : memref<1x128xf32, #tpu.memory_space<vmem>> -> memref<128xf32, #tpu.memory_space<vmem>>
    %dma_start3A_795 = arith.constant 0 : i32
    %dma_start3A_796 = tpu.memref_slice %arg12[%dma_start3A_790, %dma_start3A_795] : memref<8x128xi32, #tpu.memory_space<vmem>> -> memref<1x128xi32, #tpu.memory_space<vmem>>
    %dma_start3A_797 = tpu.memref_squeeze %dma_start3A_796 : memref<1x128xi32, #tpu.memory_space<vmem>> -> memref<128xi32, #tpu.memory_space<vmem>>
    %dma_start3A_798 = arith.constant 0 : i32
    %dma_start3A_799 = tpu.memref_slice %arg16[%dma_start3A_798] : memref<30208xf32, #tpu.memory_space<vmem_shared>> -> memref<30208xf32, #tpu.memory_space<vmem_shared>>
    tpu.enqueue_indirect_dma source(%dma_start3A_799 : memref<30208xf32, #tpu.memory_space<vmem_shared>>) target(%dma_start3A_794 : memref<128xf32, #tpu.memory_space<vmem>>) offsets(%dma_start3A_797 : memref<128xi32, #tpu.memory_space<vmem>>) semaphore(%arg19 : memref<!tpu.dma_semaphore, #tpu.memory_space<semaphore_mem>>)
    %dma_start3A_800 = arith.constant 7 : i32
    %dma_start3A_801 = arith.constant 7 : i32
    %dma_start3A_802 = arith.constant 0 : i32
    %dma_start3A_803 = tpu.memref_slice %arg13[%dma_start3A_801, %dma_start3A_802] : memref<8x128xf32, #tpu.memory_space<vmem>> -> memref<1x128xf32, #tpu.memory_space<vmem>>
    %dma_start3A_804 = tpu.memref_squeeze %dma_start3A_803 : memref<1x128xf32, #tpu.memory_space<vmem>> -> memref<128xf32, #tpu.memory_space<vmem>>
    %dma_start3A_805 = arith.constant 0 : i32
    %dma_start3A_806 = tpu.memref_slice %arg12[%dma_start3A_800, %dma_start3A_805] : memref<8x128xi32, #tpu.memory_space<vmem>> -> memref<1x128xi32, #tpu.memory_space<vmem>>
    %dma_start3A_807 = tpu.memref_squeeze %dma_start3A_806 : memref<1x128xi32, #tpu.memory_space<vmem>> -> memref<128xi32, #tpu.memory_space<vmem>>
    %dma_start3A_808 = arith.constant 0 : i32
    %dma_start3A_809 = tpu.memref_slice %arg16[%dma_start3A_808] : memref<30208xf32, #tpu.memory_space<vmem_shared>> -> memref<30208xf32, #tpu.memory_space<vmem_shared>>
    tpu.enqueue_indirect_dma source(%dma_start3A_809 : memref<30208xf32, #tpu.memory_space<vmem_shared>>) target(%dma_start3A_804 : memref<128xf32, #tpu.memory_space<vmem>>) offsets(%dma_start3A_807 : memref<128xi32, #tpu.memory_space<vmem>>) semaphore(%arg19 : memref<!tpu.dma_semaphore, #tpu.memory_space<semaphore_mem>>)
    %dma_wait3A_810 = arith.constant 0 : i32
    %dma_wait3A_811 = arith.constant 0 : i32
    %dma_wait3A_812 = arith.constant 0 : i32
    %dma_wait3A_813 = tpu.memref_slice %arg13[%dma_wait3A_811, %dma_wait3A_812] : memref<8x128xf32, #tpu.memory_space<vmem>> -> memref<1x128xf32, #tpu.memory_space<vmem>>
    %dma_wait3A_814 = tpu.memref_squeeze %dma_wait3A_813 : memref<1x128xf32, #tpu.memory_space<vmem>> -> memref<128xf32, #tpu.memory_space<vmem>>
    %dma_wait3A_815 = arith.constant 0 : i32
    %dma_wait3A_816 = tpu.memref_slice %arg12[%dma_wait3A_810, %dma_wait3A_815] : memref<8x128xi32, #tpu.memory_space<vmem>> -> memref<1x128xi32, #tpu.memory_space<vmem>>
    %dma_wait3A_817 = tpu.memref_squeeze %dma_wait3A_816 : memref<1x128xi32, #tpu.memory_space<vmem>> -> memref<128xi32, #tpu.memory_space<vmem>>
    %dma_wait3A_818 = arith.constant 0 : i32
    %dma_wait3A_819 = tpu.memref_slice %arg16[%dma_wait3A_818] : memref<30208xf32, #tpu.memory_space<vmem_shared>> -> memref<30208xf32, #tpu.memory_space<vmem_shared>>
    tpu.wait_indirect_dma semaphore(%arg19 : memref<!tpu.dma_semaphore, #tpu.memory_space<semaphore_mem>>) src(%dma_wait3A_819 : memref<30208xf32, #tpu.memory_space<vmem_shared>>) dst(%dma_wait3A_814 : memref<128xf32, #tpu.memory_space<vmem>>)
    %dma_wait3A_820 = arith.constant 1 : i32
    %dma_wait3A_821 = arith.constant 1 : i32
    %dma_wait3A_822 = arith.constant 0 : i32
    %dma_wait3A_823 = tpu.memref_slice %arg13[%dma_wait3A_821, %dma_wait3A_822] : memref<8x128xf32, #tpu.memory_space<vmem>> -> memref<1x128xf32, #tpu.memory_space<vmem>>
    %dma_wait3A_824 = tpu.memref_squeeze %dma_wait3A_823 : memref<1x128xf32, #tpu.memory_space<vmem>> -> memref<128xf32, #tpu.memory_space<vmem>>
    %dma_wait3A_825 = arith.constant 0 : i32
    %dma_wait3A_826 = tpu.memref_slice %arg12[%dma_wait3A_820, %dma_wait3A_825] : memref<8x128xi32, #tpu.memory_space<vmem>> -> memref<1x128xi32, #tpu.memory_space<vmem>>
    %dma_wait3A_827 = tpu.memref_squeeze %dma_wait3A_826 : memref<1x128xi32, #tpu.memory_space<vmem>> -> memref<128xi32, #tpu.memory_space<vmem>>
    %dma_wait3A_828 = arith.constant 0 : i32
    %dma_wait3A_829 = tpu.memref_slice %arg16[%dma_wait3A_828] : memref<30208xf32, #tpu.memory_space<vmem_shared>> -> memref<30208xf32, #tpu.memory_space<vmem_shared>>
    tpu.wait_indirect_dma semaphore(%arg19 : memref<!tpu.dma_semaphore, #tpu.memory_space<semaphore_mem>>) src(%dma_wait3A_829 : memref<30208xf32, #tpu.memory_space<vmem_shared>>) dst(%dma_wait3A_824 : memref<128xf32, #tpu.memory_space<vmem>>)
    %dma_wait3A_830 = arith.constant 2 : i32
    %dma_wait3A_831 = arith.constant 2 : i32
    %dma_wait3A_832 = arith.constant 0 : i32
    %dma_wait3A_833 = tpu.memref_slice %arg13[%dma_wait3A_831, %dma_wait3A_832] : memref<8x128xf32, #tpu.memory_space<vmem>> -> memref<1x128xf32, #tpu.memory_space<vmem>>
    %dma_wait3A_834 = tpu.memref_squeeze %dma_wait3A_833 : memref<1x128xf32, #tpu.memory_space<vmem>> -> memref<128xf32, #tpu.memory_space<vmem>>
    %dma_wait3A_835 = arith.constant 0 : i32
    %dma_wait3A_836 = tpu.memref_slice %arg12[%dma_wait3A_830, %dma_wait3A_835] : memref<8x128xi32, #tpu.memory_space<vmem>> -> memref<1x128xi32, #tpu.memory_space<vmem>>
    %dma_wait3A_837 = tpu.memref_squeeze %dma_wait3A_836 : memref<1x128xi32, #tpu.memory_space<vmem>> -> memref<128xi32, #tpu.memory_space<vmem>>
    %dma_wait3A_838 = arith.constant 0 : i32
    %dma_wait3A_839 = tpu.memref_slice %arg16[%dma_wait3A_838] : memref<30208xf32, #tpu.memory_space<vmem_shared>> -> memref<30208xf32, #tpu.memory_space<vmem_shared>>
    tpu.wait_indirect_dma semaphore(%arg19 : memref<!tpu.dma_semaphore, #tpu.memory_space<semaphore_mem>>) src(%dma_wait3A_839 : memref<30208xf32, #tpu.memory_space<vmem_shared>>) dst(%dma_wait3A_834 : memref<128xf32, #tpu.memory_space<vmem>>)
    %dma_wait3A_840 = arith.constant 3 : i32
    %dma_wait3A_841 = arith.constant 3 : i32
    %dma_wait3A_842 = arith.constant 0 : i32
    %dma_wait3A_843 = tpu.memref_slice %arg13[%dma_wait3A_841, %dma_wait3A_842] : memref<8x128xf32, #tpu.memory_space<vmem>> -> memref<1x128xf32, #tpu.memory_space<vmem>>
    %dma_wait3A_844 = tpu.memref_squeeze %dma_wait3A_843 : memref<1x128xf32, #tpu.memory_space<vmem>> -> memref<128xf32, #tpu.memory_space<vmem>>
    %dma_wait3A_845 = arith.constant 0 : i32
    %dma_wait3A_846 = tpu.memref_slice %arg12[%dma_wait3A_840, %dma_wait3A_845] : memref<8x128xi32, #tpu.memory_space<vmem>> -> memref<1x128xi32, #tpu.memory_space<vmem>>
    %dma_wait3A_847 = tpu.memref_squeeze %dma_wait3A_846 : memref<1x128xi32, #tpu.memory_space<vmem>> -> memref<128xi32, #tpu.memory_space<vmem>>
    %dma_wait3A_848 = arith.constant 0 : i32
    %dma_wait3A_849 = tpu.memref_slice %arg16[%dma_wait3A_848] : memref<30208xf32, #tpu.memory_space<vmem_shared>> -> memref<30208xf32, #tpu.memory_space<vmem_shared>>
    tpu.wait_indirect_dma semaphore(%arg19 : memref<!tpu.dma_semaphore, #tpu.memory_space<semaphore_mem>>) src(%dma_wait3A_849 : memref<30208xf32, #tpu.memory_space<vmem_shared>>) dst(%dma_wait3A_844 : memref<128xf32, #tpu.memory_space<vmem>>)
    %dma_wait3A_850 = arith.constant 4 : i32
    %dma_wait3A_851 = arith.constant 4 : i32
    %dma_wait3A_852 = arith.constant 0 : i32
    %dma_wait3A_853 = tpu.memref_slice %arg13[%dma_wait3A_851, %dma_wait3A_852] : memref<8x128xf32, #tpu.memory_space<vmem>> -> memref<1x128xf32, #tpu.memory_space<vmem>>
    %dma_wait3A_854 = tpu.memref_squeeze %dma_wait3A_853 : memref<1x128xf32, #tpu.memory_space<vmem>> -> memref<128xf32, #tpu.memory_space<vmem>>
    %dma_wait3A_855 = arith.constant 0 : i32
    %dma_wait3A_856 = tpu.memref_slice %arg12[%dma_wait3A_850, %dma_wait3A_855] : memref<8x128xi32, #tpu.memory_space<vmem>> -> memref<1x128xi32, #tpu.memory_space<vmem>>
    %dma_wait3A_857 = tpu.memref_squeeze %dma_wait3A_856 : memref<1x128xi32, #tpu.memory_space<vmem>> -> memref<128xi32, #tpu.memory_space<vmem>>
    %dma_wait3A_858 = arith.constant 0 : i32
    %dma_wait3A_859 = tpu.memref_slice %arg16[%dma_wait3A_858] : memref<30208xf32, #tpu.memory_space<vmem_shared>> -> memref<30208xf32, #tpu.memory_space<vmem_shared>>
    tpu.wait_indirect_dma semaphore(%arg19 : memref<!tpu.dma_semaphore, #tpu.memory_space<semaphore_mem>>) src(%dma_wait3A_859 : memref<30208xf32, #tpu.memory_space<vmem_shared>>) dst(%dma_wait3A_854 : memref<128xf32, #tpu.memory_space<vmem>>)
    %dma_wait3A_860 = arith.constant 5 : i32
    %dma_wait3A_861 = arith.constant 5 : i32
    %dma_wait3A_862 = arith.constant 0 : i32
    %dma_wait3A_863 = tpu.memref_slice %arg13[%dma_wait3A_861, %dma_wait3A_862] : memref<8x128xf32, #tpu.memory_space<vmem>> -> memref<1x128xf32, #tpu.memory_space<vmem>>
    %dma_wait3A_864 = tpu.memref_squeeze %dma_wait3A_863 : memref<1x128xf32, #tpu.memory_space<vmem>> -> memref<128xf32, #tpu.memory_space<vmem>>
    %dma_wait3A_865 = arith.constant 0 : i32
    %dma_wait3A_866 = tpu.memref_slice %arg12[%dma_wait3A_860, %dma_wait3A_865] : memref<8x128xi32, #tpu.memory_space<vmem>> -> memref<1x128xi32, #tpu.memory_space<vmem>>
    %dma_wait3A_867 = tpu.memref_squeeze %dma_wait3A_866 : memref<1x128xi32, #tpu.memory_space<vmem>> -> memref<128xi32, #tpu.memory_space<vmem>>
    %dma_wait3A_868 = arith.constant 0 : i32
    %dma_wait3A_869 = tpu.memref_slice %arg16[%dma_wait3A_868] : memref<30208xf32, #tpu.memory_space<vmem_shared>> -> memref<30208xf32, #tpu.memory_space<vmem_shared>>
    tpu.wait_indirect_dma semaphore(%arg19 : memref<!tpu.dma_semaphore, #tpu.memory_space<semaphore_mem>>) src(%dma_wait3A_869 : memref<30208xf32, #tpu.memory_space<vmem_shared>>) dst(%dma_wait3A_864 : memref<128xf32, #tpu.memory_space<vmem>>)
    %dma_wait3A_870 = arith.constant 6 : i32
    %dma_wait3A_871 = arith.constant 6 : i32
    %dma_wait3A_872 = arith.constant 0 : i32
    %dma_wait3A_873 = tpu.memref_slice %arg13[%dma_wait3A_871, %dma_wait3A_872] : memref<8x128xf32, #tpu.memory_space<vmem>> -> memref<1x128xf32, #tpu.memory_space<vmem>>
    %dma_wait3A_874 = tpu.memref_squeeze %dma_wait3A_873 : memref<1x128xf32, #tpu.memory_space<vmem>> -> memref<128xf32, #tpu.memory_space<vmem>>
    %dma_wait3A_875 = arith.constant 0 : i32
    %dma_wait3A_876 = tpu.memref_slice %arg12[%dma_wait3A_870, %dma_wait3A_875] : memref<8x128xi32, #tpu.memory_space<vmem>> -> memref<1x128xi32, #tpu.memory_space<vmem>>
    %dma_wait3A_877 = tpu.memref_squeeze %dma_wait3A_876 : memref<1x128xi32, #tpu.memory_space<vmem>> -> memref<128xi32, #tpu.memory_space<vmem>>
    %dma_wait3A_878 = arith.constant 0 : i32
    %dma_wait3A_879 = tpu.memref_slice %arg16[%dma_wait3A_878] : memref<30208xf32, #tpu.memory_space<vmem_shared>> -> memref<30208xf32, #tpu.memory_space<vmem_shared>>
    tpu.wait_indirect_dma semaphore(%arg19 : memref<!tpu.dma_semaphore, #tpu.memory_space<semaphore_mem>>) src(%dma_wait3A_879 : memref<30208xf32, #tpu.memory_space<vmem_shared>>) dst(%dma_wait3A_874 : memref<128xf32, #tpu.memory_space<vmem>>)
    %dma_wait3A_880 = arith.constant 7 : i32
    %dma_wait3A_881 = arith.constant 7 : i32
    %dma_wait3A_882 = arith.constant 0 : i32
    %dma_wait3A_883 = tpu.memref_slice %arg13[%dma_wait3A_881, %dma_wait3A_882] : memref<8x128xf32, #tpu.memory_space<vmem>> -> memref<1x128xf32, #tpu.memory_space<vmem>>
    %dma_wait3A_884 = tpu.memref_squeeze %dma_wait3A_883 : memref<1x128xf32, #tpu.memory_space<vmem>> -> memref<128xf32, #tpu.memory_space<vmem>>
    %dma_wait3A_885 = arith.constant 0 : i32
    %dma_wait3A_886 = tpu.memref_slice %arg12[%dma_wait3A_880, %dma_wait3A_885] : memref<8x128xi32, #tpu.memory_space<vmem>> -> memref<1x128xi32, #tpu.memory_space<vmem>>
    %dma_wait3A_887 = tpu.memref_squeeze %dma_wait3A_886 : memref<1x128xi32, #tpu.memory_space<vmem>> -> memref<128xi32, #tpu.memory_space<vmem>>
    %dma_wait3A_888 = arith.constant 0 : i32
    %dma_wait3A_889 = tpu.memref_slice %arg16[%dma_wait3A_888] : memref<30208xf32, #tpu.memory_space<vmem_shared>> -> memref<30208xf32, #tpu.memory_space<vmem_shared>>
    tpu.wait_indirect_dma semaphore(%arg19 : memref<!tpu.dma_semaphore, #tpu.memory_space<semaphore_mem>>) src(%dma_wait3A_889 : memref<30208xf32, #tpu.memory_space<vmem_shared>>) dst(%dma_wait3A_884 : memref<128xf32, #tpu.memory_space<vmem>>)
    %mul3A_890 = arith.constant 128 : i32
    %mul3A_891 = arith.muli %arg1, %mul3A_890 : i32
    "tpu.region"() ({
      %run_scoped3A = tpu.sem_alloc : memref<!tpu.dma_semaphore, #tpu.memory_space<semaphore_mem>>
      %dma_start3A_896 = arith.constant 0 : i32
      %dma_start3A_897 = tpu.memref_slice %arg5[%arg0, %dma_start3A_896, %mul3A_891] : memref<2x8x2048xf32, #tpu.memory_space<hbm>> -> memref<1x8x128xf32, #tpu.memory_space<hbm>>
      %dma_start3A_898 = tpu.memref_squeeze %dma_start3A_897 : memref<1x8x128xf32, #tpu.memory_space<hbm>> -> memref<8x128xf32, #tpu.memory_space<hbm>>
      %dma_start3A_899 = arith.constant 0 : i32
      %dma_start3A_900 = tpu.memref_slice %arg5[%arg0, %dma_start3A_899, %mul3A_891] : memref<2x8x2048xf32, #tpu.memory_space<hbm>> -> memref<1x8x128xf32, #tpu.memory_space<hbm>>
      %dma_start3A_901 = tpu.memref_squeeze %dma_start3A_900 : memref<1x8x128xf32, #tpu.memory_space<hbm>> -> memref<8x128xf32, #tpu.memory_space<hbm>>
      tpu.enqueue_dma source(%arg13 : memref<8x128xf32, #tpu.memory_space<vmem>>) target(%dma_start3A_901 : memref<8x128xf32, #tpu.memory_space<hbm>>) target_semaphore(%run_scoped3A : memref<!tpu.dma_semaphore, #tpu.memory_space<semaphore_mem>>)
      %dma_wait3A_902 = arith.constant 0 : i32
      %dma_wait3A_903 = tpu.memref_slice %arg5[%arg0, %dma_wait3A_902, %mul3A_891] : memref<2x8x2048xf32, #tpu.memory_space<hbm>> -> memref<1x8x128xf32, #tpu.memory_space<hbm>>
      %dma_wait3A_904 = tpu.memref_squeeze %dma_wait3A_903 : memref<1x8x128xf32, #tpu.memory_space<hbm>> -> memref<8x128xf32, #tpu.memory_space<hbm>>
      %dma_wait3A_905 = arith.constant 0 : i32
      %dma_wait3A_906 = tpu.memref_slice %arg5[%arg0, %dma_wait3A_905, %mul3A_891] : memref<2x8x2048xf32, #tpu.memory_space<hbm>> -> memref<1x8x128xf32, #tpu.memory_space<hbm>>
      %dma_wait3A_907 = tpu.memref_squeeze %dma_wait3A_906 : memref<1x8x128xf32, #tpu.memory_space<hbm>> -> memref<8x128xf32, #tpu.memory_space<hbm>>
      tpu.wait_dma2 semaphore(%run_scoped3A : memref<!tpu.dma_semaphore, #tpu.memory_space<semaphore_mem>>) src(%arg13 : memref<8x128xf32, #tpu.memory_space<vmem>>) dst(%dma_wait3A_907 : memref<8x128xf32, #tpu.memory_space<hbm>>)
      tpu.yield
    }) : () -> ()
    %eq3A = arith.constant 0 : i32
    %eq3A_892 = arith.cmpi eq, %arg0, %eq3A : i32
    %convert_element_type3A_893 = arith.extui %eq3A_892 : i1 to i32
    %cond3A_894 = arith.constant 0 : i32
    %cond3A_895 = arith.cmpi ne, %convert_element_type3A_893, %cond3A_894 : i32
    scf.if %cond3A_895 {
      %mul3A_896 = arith.constant 128 : i32
      %mul3A_897 = arith.muli %arg1, %mul3A_896 : i32
      "tpu.region"() ({
        %run_scoped3A = tpu.sem_alloc : memref<!tpu.dma_semaphore, #tpu.memory_space<semaphore_mem>>
        %dma_start3A_898 = tpu.memref_slice %arg6[%mul3A_897] : memref<2048xi32, #tpu.memory_space<hbm>> -> memref<128xi32, #tpu.memory_space<hbm>>
        %dma_start3A_899 = tpu.memref_slice %arg6[%mul3A_897] : memref<2048xi32, #tpu.memory_space<hbm>> -> memref<128xi32, #tpu.memory_space<hbm>>
        tpu.enqueue_dma source(%arg14 : memref<128xi32, #tpu.memory_space<vmem>>) target(%dma_start3A_899 : memref<128xi32, #tpu.memory_space<hbm>>) target_semaphore(%run_scoped3A : memref<!tpu.dma_semaphore, #tpu.memory_space<semaphore_mem>>)
        %dma_wait3A_900 = tpu.memref_slice %arg6[%mul3A_897] : memref<2048xi32, #tpu.memory_space<hbm>> -> memref<128xi32, #tpu.memory_space<hbm>>
        %dma_wait3A_901 = tpu.memref_slice %arg6[%mul3A_897] : memref<2048xi32, #tpu.memory_space<hbm>> -> memref<128xi32, #tpu.memory_space<hbm>>
        tpu.wait_dma2 semaphore(%run_scoped3A : memref<!tpu.dma_semaphore, #tpu.memory_space<semaphore_mem>>) src(%arg14 : memref<128xi32, #tpu.memory_space<vmem>>) dst(%dma_wait3A_901 : memref<128xi32, #tpu.memory_space<hbm>>)
        tpu.yield
      }) : () -> ()
    } else {
    }
    return
  }
}

module attributes {stable_mosaic.version = 14 : i64} {
  func.func @body(%arg0: memref<3x128xf32, #tpu.memory_space<vmem>>, %arg1: memref<3x128x128xf32, #tpu.memory_space<vmem>>, %arg2: memref<3x128xf32, #tpu.memory_space<vmem>>, %arg3: memref<128x128xf32, #tpu.memory_space<vmem>>, %arg4: memref<128x128xf32, #tpu.memory_space<vmem>>, %arg5: memref<1x128xf32, #tpu.memory_space<vmem>>, %arg6: memref<128x128xf32, #tpu.memory_space<vmem>>, %arg7: memref<1x128xf32, #tpu.memory_space<vmem>>, %arg8: memref<128x128xf32, #tpu.memory_space<vmem>>, %arg9: memref<1x128xf32, #tpu.memory_space<vmem>>, %arg10: memref<128x1xf32, #tpu.memory_space<vmem>>, %arg11: memref<1x1xf32, #tpu.memory_space<vmem>>, %arg12: memref<2x8x2048xf32, #tpu.memory_space<vmem>>, %arg13: memref<2048xi32, #tpu.memory_space<vmem>>, %arg14: memref<1x2048xf32, #tpu.memory_space<vmem>>) attributes {dimension_semantics = [], scalar_prefetch = 0 : i64, scratch_operands = 0 : i64, tpu.core_type = #tpu.core_type<tc>} {
    %get3A = arith.constant 0 : index
    %get3A_0 = arith.constant 0 : index
    %get3A_1 = vector.load %arg0[%get3A, %get3A_0] : memref<3x128xf32, #tpu.memory_space<vmem>>, vector<1x128xf32>
    %get3A_2 = arith.constant 0 : index
    %get3A_3 = arith.constant 0 : index
    %get3A_4 = arith.constant 0 : index
    %get3A_5 = vector.load %arg1[%get3A_2, %get3A_3, %get3A_4] : memref<3x128x128xf32, #tpu.memory_space<vmem>>, vector<1x128x128xf32>
    %get3A_6 = vector.shape_cast %get3A_5 : vector<1x128x128xf32> to vector<128x128xf32>
    %dot_general3A = arith.constant dense<0.000000e+00> : vector<1x128xf32>
    %dot_general3A_7 = tpu.matmul %get3A_1, %get3A_6, %dot_general3A {dimension_numbers = #tpu.dot_dimension_numbers<[1], [0], [0], [1], [0, 0, 1, 1], [], []>, transpose_lhs_hint = false} : vector<1x128xf32>, vector<128x128xf32>, vector<1x128xf32> -> vector<1x128xf32>
    %get3A_8 = arith.constant 0 : index
    %get3A_9 = arith.constant 0 : index
    %get3A_10 = vector.load %arg2[%get3A_8, %get3A_9] : memref<3x128xf32, #tpu.memory_space<vmem>>, vector<1x128xf32>
    %add3A = arith.addf %dot_general3A_7, %get3A_10 : vector<1x128xf32>
    %get3A_11 = arith.constant 1 : index
    %get3A_12 = arith.constant 0 : index
    %get3A_13 = vector.load %arg0[%get3A_11, %get3A_12] : memref<3x128xf32, #tpu.memory_space<vmem>>, vector<1x128xf32>
    %get3A_14 = arith.constant 1 : index
    %get3A_15 = arith.constant 0 : index
    %get3A_16 = arith.constant 0 : index
    %get3A_17 = vector.load %arg1[%get3A_14, %get3A_15, %get3A_16] : memref<3x128x128xf32, #tpu.memory_space<vmem>>, vector<1x128x128xf32>
    %get3A_18 = vector.shape_cast %get3A_17 : vector<1x128x128xf32> to vector<128x128xf32>
    %dot_general3A_19 = arith.constant dense<0.000000e+00> : vector<1x128xf32>
    %dot_general3A_20 = tpu.matmul %get3A_13, %get3A_18, %dot_general3A_19 {dimension_numbers = #tpu.dot_dimension_numbers<[1], [0], [0], [1], [0, 0, 1, 1], [], []>, transpose_lhs_hint = false} : vector<1x128xf32>, vector<128x128xf32>, vector<1x128xf32> -> vector<1x128xf32>
    %get3A_21 = arith.constant 1 : index
    %get3A_22 = arith.constant 0 : index
    %get3A_23 = vector.load %arg2[%get3A_21, %get3A_22] : memref<3x128xf32, #tpu.memory_space<vmem>>, vector<1x128xf32>
    %add3A_24 = arith.addf %dot_general3A_20, %get3A_23 : vector<1x128xf32>
    %get3A_25 = arith.constant 2 : index
    %get3A_26 = arith.constant 0 : index
    %get3A_27 = vector.load %arg0[%get3A_25, %get3A_26] : memref<3x128xf32, #tpu.memory_space<vmem>>, vector<1x128xf32>
    %get3A_28 = arith.constant 2 : index
    %get3A_29 = arith.constant 0 : index
    %get3A_30 = arith.constant 0 : index
    %get3A_31 = vector.load %arg1[%get3A_28, %get3A_29, %get3A_30] : memref<3x128x128xf32, #tpu.memory_space<vmem>>, vector<1x128x128xf32>
    %get3A_32 = vector.shape_cast %get3A_31 : vector<1x128x128xf32> to vector<128x128xf32>
    %dot_general3A_33 = arith.constant dense<0.000000e+00> : vector<1x128xf32>
    %dot_general3A_34 = tpu.matmul %get3A_27, %get3A_32, %dot_general3A_33 {dimension_numbers = #tpu.dot_dimension_numbers<[1], [0], [0], [1], [0, 0, 1, 1], [], []>, transpose_lhs_hint = false} : vector<1x128xf32>, vector<128x128xf32>, vector<1x128xf32> -> vector<1x128xf32>
    %get3A_35 = arith.constant 2 : index
    %get3A_36 = arith.constant 0 : index
    %get3A_37 = vector.load %arg2[%get3A_35, %get3A_36] : memref<3x128xf32, #tpu.memory_space<vmem>>, vector<1x128xf32>
    %add3A_38 = arith.addf %dot_general3A_34, %get3A_37 : vector<1x128xf32>
    %broadcast_in_dim3A = arith.constant 0.000000e+00 : f32
    %broadcast_in_dim3A_39 = vector.broadcast %broadcast_in_dim3A : f32 to vector<5x128xf32>
    %concatenate3A = tpu.concatenate %add3A, %add3A_24, %add3A_38, %broadcast_in_dim3A_39 in 0 : vector<1x128xf32>, vector<1x128xf32>, vector<1x128xf32>, vector<5x128xf32> -> vector<8x128xf32>
    %get3A_40 = arith.constant 0 : index
    %get3A_41 = arith.constant 0 : index
    %get3A_42 = vector.load %arg3[%get3A_40, %get3A_41] : memref<128x128xf32, #tpu.memory_space<vmem>>, vector<128x128xf32>
    %dot_general3A_43 = arith.constant dense<0.000000e+00> : vector<8x128xf32>
    %dot_general3A_44 = tpu.matmul %concatenate3A, %get3A_42, %dot_general3A_43 {dimension_numbers = #tpu.dot_dimension_numbers<[1], [0], [0], [1], [0, 0, 1, 1], [], []>, transpose_lhs_hint = false} : vector<8x128xf32>, vector<128x128xf32>, vector<8x128xf32> -> vector<8x128xf32>
    %get3A_45 = arith.constant 0 : index
    %get3A_46 = arith.constant 0 : index
    %get3A_47 = vector.load %arg4[%get3A_45, %get3A_46] : memref<128x128xf32, #tpu.memory_space<vmem>>, vector<128x128xf32>
    %dot_general3A_48 = arith.constant dense<0.000000e+00> : vector<8x128xf32>
    %dot_general3A_49 = tpu.matmul %concatenate3A, %get3A_47, %dot_general3A_48 {dimension_numbers = #tpu.dot_dimension_numbers<[1], [0], [0], [1], [0, 0, 1, 1], [], []>, transpose_lhs_hint = false} : vector<8x128xf32>, vector<128x128xf32>, vector<8x128xf32> -> vector<8x128xf32>
    %get3A_50 = arith.constant 0 : index
    %get3A_51 = arith.constant 0 : index
    %get3A_52 = vector.load %arg5[%get3A_50, %get3A_51] : memref<1x128xf32, #tpu.memory_space<vmem>>, vector<1x128xf32>
    %add3A_53 = vector.broadcast %get3A_52 : vector<1x128xf32> to vector<8x128xf32>
    %add3A_54 = arith.addf %dot_general3A_49, %add3A_53 : vector<8x128xf32>
    %get3A_55 = arith.constant 0 : index
    %get3A_56 = arith.constant 0 : index
    %get3A_57 = arith.constant 0 : index
    %get3A_58 = vector.load %arg12[%get3A_55, %get3A_56, %get3A_57] : memref<2x8x2048xf32, #tpu.memory_space<vmem>>, vector<1x8x2048xf32>
    %get3A_59 = vector.shape_cast %get3A_58 : vector<1x8x2048xf32> to vector<8x2048xf32>
    %get3A_60 = arith.constant 1 : index
    %get3A_61 = arith.constant 0 : index
    %get3A_62 = arith.constant 0 : index
    %get3A_63 = vector.load %arg12[%get3A_60, %get3A_61, %get3A_62] : memref<2x8x2048xf32, #tpu.memory_space<vmem>>, vector<1x8x2048xf32>
    %get3A_64 = vector.shape_cast %get3A_63 : vector<1x8x2048xf32> to vector<8x2048xf32>
    %add3A_65 = arith.addf %get3A_59, %get3A_64 : vector<8x2048xf32>
    %iota3A = tpu.iota {dimensions = array<i32: 0>} : vector<8x2048xi32>
    %get3A_66 = arith.constant 0 : index
    %get3A_67 = vector.load %arg13[%get3A_66] : memref<2048xi32, #tpu.memory_space<vmem>>, vector<2048xi32>
    %broadcast_in_dim3A_68 = vector.shape_cast %get3A_67 : vector<2048xi32> to vector<1x2048xi32>
    %eq3A = vector.broadcast %broadcast_in_dim3A_68 : vector<1x2048xi32> to vector<8x2048xi32>
    %eq3A_69 = arith.cmpi eq, %iota3A, %eq3A : vector<8x2048xi32>
    %convert_element_type3A = arith.extui %eq3A_69 : vector<8x2048xi1> to vector<8x2048xi32>
    %convert_element_type3A_70 = arith.sitofp %convert_element_type3A : vector<8x2048xi32> to vector<8x2048xf32>
    %concatenate3A_71 = tpu.concatenate %add3A_65, %convert_element_type3A_70 in 0 : vector<8x2048xf32>, vector<8x2048xf32> -> vector<16x2048xf32>
    %concatenate3A_72 = tpu.concatenate %dot_general3A_44, %add3A_54 in 0 : vector<8x128xf32>, vector<8x128xf32> -> vector<16x128xf32>
    %dot_general3A_73 = arith.constant dense<0.000000e+00> : vector<2048x128xf32>
    %dot_general3A_74 = tpu.matmul %concatenate3A_71, %concatenate3A_72, %dot_general3A_73 {dimension_numbers = #tpu.dot_dimension_numbers<[0], [0], [1], [1], [0, 1, 1, 1], [], []>, precision = #tpu.contract_precision<fp32>, transpose_lhs_hint = false} : vector<16x2048xf32>, vector<16x128xf32>, vector<2048x128xf32> -> vector<2048x128xf32>
    %max3A = arith.constant 0.000000e+00 : f32
    %max3A_75 = vector.broadcast %max3A : f32 to vector<2048x128xf32>
    %max3A_76 = arith.maximumf %dot_general3A_74, %max3A_75 : vector<2048x128xf32>
    %get3A_77 = arith.constant 0 : index
    %get3A_78 = arith.constant 0 : index
    %get3A_79 = vector.load %arg6[%get3A_77, %get3A_78] : memref<128x128xf32, #tpu.memory_space<vmem>>, vector<128x128xf32>
    %dot_general3A_80 = arith.constant dense<0.000000e+00> : vector<2048x128xf32>
    %dot_general3A_81 = tpu.matmul %max3A_76, %get3A_79, %dot_general3A_80 {dimension_numbers = #tpu.dot_dimension_numbers<[1], [0], [0], [1], [0, 0, 1, 1], [], []>, transpose_lhs_hint = false} : vector<2048x128xf32>, vector<128x128xf32>, vector<2048x128xf32> -> vector<2048x128xf32>
    %get3A_82 = arith.constant 0 : index
    %get3A_83 = arith.constant 0 : index
    %get3A_84 = vector.load %arg7[%get3A_82, %get3A_83] : memref<1x128xf32, #tpu.memory_space<vmem>>, vector<1x128xf32>
    %add3A_85 = vector.broadcast %get3A_84 : vector<1x128xf32> to vector<2048x128xf32>
    %add3A_86 = arith.addf %dot_general3A_81, %add3A_85 : vector<2048x128xf32>
    %max3A_87 = arith.constant 0.000000e+00 : f32
    %max3A_88 = vector.broadcast %max3A_87 : f32 to vector<2048x128xf32>
    %max3A_89 = arith.maximumf %add3A_86, %max3A_88 : vector<2048x128xf32>
    %get3A_90 = arith.constant 0 : index
    %get3A_91 = arith.constant 0 : index
    %get3A_92 = vector.load %arg8[%get3A_90, %get3A_91] : memref<128x128xf32, #tpu.memory_space<vmem>>, vector<128x128xf32>
    %dot_general3A_93 = arith.constant dense<0.000000e+00> : vector<2048x128xf32>
    %dot_general3A_94 = tpu.matmul %max3A_89, %get3A_92, %dot_general3A_93 {dimension_numbers = #tpu.dot_dimension_numbers<[1], [0], [0], [1], [0, 0, 1, 1], [], []>, transpose_lhs_hint = false} : vector<2048x128xf32>, vector<128x128xf32>, vector<2048x128xf32> -> vector<2048x128xf32>
    %get3A_95 = arith.constant 0 : index
    %get3A_96 = arith.constant 0 : index
    %get3A_97 = vector.load %arg9[%get3A_95, %get3A_96] : memref<1x128xf32, #tpu.memory_space<vmem>>, vector<1x128xf32>
    %add3A_98 = vector.broadcast %get3A_97 : vector<1x128xf32> to vector<2048x128xf32>
    %add3A_99 = arith.addf %dot_general3A_94, %add3A_98 : vector<2048x128xf32>
    %max3A_100 = arith.constant 0.000000e+00 : f32
    %max3A_101 = vector.broadcast %max3A_100 : f32 to vector<2048x128xf32>
    %max3A_102 = arith.maximumf %add3A_99, %max3A_101 : vector<2048x128xf32>
    %get3A_103 = arith.constant 0 : index
    %get3A_104 = arith.constant 0 : index
    %get3A_105 = vector.load %arg10[%get3A_103, %get3A_104] : memref<128x1xf32, #tpu.memory_space<vmem>>, vector<128x1xf32>
    %dot_general3A_106 = arith.constant dense<0.000000e+00> : vector<1x2048xf32>
    %dot_general3A_107 = tpu.matmul %get3A_105, %max3A_102, %dot_general3A_106 {dimension_numbers = #tpu.dot_dimension_numbers<[0], [1], [1], [0], [0, 1, 1, 0], [], []>, transpose_lhs_hint = false} : vector<128x1xf32>, vector<2048x128xf32>, vector<1x2048xf32> -> vector<1x2048xf32>
    %get3A_108 = arith.constant 0 : index
    %get3A_109 = arith.constant 0 : index
    %get3A_110 = vector.load %arg11[%get3A_108, %get3A_109] : memref<1x1xf32, #tpu.memory_space<vmem>>, vector<1x1xf32>
    %add3A_111 = vector.broadcast %get3A_110 : vector<1x1xf32> to vector<1x2048xf32>
    %add3A_112 = arith.addf %dot_general3A_107, %add3A_111 : vector<1x2048xf32>
    %logistic3A = arith.negf %add3A_112 : vector<1x2048xf32>
    %logistic3A_113 = math.exp %logistic3A : vector<1x2048xf32>
    %logistic3A_114 = arith.constant 1.000000e+00 : f32
    %logistic3A_115 = vector.broadcast %logistic3A_114 : f32 to vector<1x2048xf32>
    %logistic3A_116 = arith.addf %logistic3A_115, %logistic3A_113 : vector<1x2048xf32>
    %logistic3A_117 = arith.divf %logistic3A_115, %logistic3A_116 : vector<1x2048xf32>
    %swap3A = arith.constant 0 : index
    %swap3A_118 = arith.constant 0 : index
    %swap3A_119 = vector.load %arg14[%swap3A, %swap3A_118] : memref<1x2048xf32, #tpu.memory_space<vmem>>, vector<1x2048xf32>
    tpu.vector_store %arg14[%swap3A, %swap3A_118], %logistic3A_117 {strides = array<i32>} : memref<1x2048xf32, #tpu.memory_space<vmem>>, vector<1x2048xf32>,
    return
  }
}

</mosaic_0001>

<sc_bundles>
// kernel: kernel.4.cloned.1.call-start
scs
__scs_entry_jumppad:
0x0: {  	(pc) =	sbr.rel $0x88, $3  }
0x1: {  	(tag) =	ssettag $0x0;
	lr =	simm.s32 $0x1  }
0x2: {  	[smem:$0x3F92] =	sst lr;
	_ =	strace $0xD0000000  }
0x3: {  	_ = 	snop  }
0x4: {  	_ = 	snop  }
0x5: {  	_ = 	snop  }
0x6: {  	_ = 	snop  }
0x7: {  	_ = 	snop  }
__scs_overlays_trampoline_lowered:
0x8: {  	[smem:$0x3FA1] =	sst s0  }
0x9: {  	[smem:$0x3FA2] =	sst s1  }
0xa: {  	[smem:$0x3FA3] =	sst s2  }
0xb: {  	[smem:$0x3FA4] =	sst s3  }
0xc: {  	[smem:$0x3FA5] =	sst s4  }
0xd: {  	[smem:$0x3FA6] =	sst s5  }
0xe: {  	[smem:$0x3FA7] =	sst s6  }
0xf: {  	[smem:$0x3FA8] =	sst s7  }
0x10: {  	[smem:$0x3FA9] =	sst s8  }
0x11: {  	[smem:$0x3FAA] =	sst s9;
	s0 =	simm.s32 @!p0 $0x0  }
0x12: {  	s1 =	sld [smem:$0x3F90];
	s0 =	simm.s32 @p0 $0x1  }
0x13: {  	[smem:$0x3FAB] =	sst s0;
	s0 =	simm.s32 @!p1 $0x0  }
0x14: {  	s2 =	sld [smem:$0x3F8F];
	s0 =	simm.s32 @p1 $0x1  }
0x15: {  	[smem:$0x3FAC] =	sst s0;
	s0 =	simm.s32 @!p2 $0x0  }
0x16: {  	s3 =	sld [smem:$0x3FDB];
	s0 =	simm.s32 @p2 $0x1  }
0x17: {  	s4 =	simm.s32 $0x1BF5;
	[smem:$0x3FAE] =	sst s0  }
0x18: {  	s0 =	sld [smem:$0x3F91];
	_ =	swait.ge [sflag:s4], $0x0  }
0x19: {  	s7 =	sld [smem:$0x3F92]  }
0x1a: {  	s8 =	sadd.s32 $0xFFFFE003, lr  }
0x1b: {  	s9 =	sadd.s32 $0xFFFFFEF7, lr;
	s5 =	simm.s32 $0xFFFFFFFF;
	p2 =	slt.u32 s8, $0xFFFFF086  }
0x1c: {  	p1 =	slt.u32 s9, $0xF7A;
	s5 =	simm.s32 @!p2 $0x0  }
0x1d: {  	s5 =	simm.s32 @p1 $0x1;
	p0 =	seq.s32 s7, s2  }
0x1e: {  	s7 =	smul.u32 @!p0 $0xF7A, s2;
	p2 =	seq.s32 @!p0 s5, $0x0  }
0x1f: {  	s9 =	smul.u32 $0xF7A, s1;
	s8 =	simm.s32 @!p0 $0x1BF5;
	p2 =	por !p2, p0  }
0x20: {  	[sflag:s8] =	ssyncset.s32 @!p0 $0xFFFFF086;
	s6 =	sadd.s32 @!p0 s3, s7;
	s7 =	simm.s32 @!p0 $0x108  }
0x21: {  	s3 =	sadd.s32 s3, s9;
	s6 =	sadd.s32 @!p0 $0x88, s6;
	s7 =	simm.s32 @p2 $0x1082  }
0x22: {  	[simem:s7], [sflag:s8] =	dma.local @!p0 [hbm:s6], $0xF7A  }
0x23: {  	s9 =	sor.u32 $0xD0000000, s2;
	s6 =	simm.s32 $0x108;
	_ =	swait.ge @!p0 [sflag:s8], $0x0  }
0x24: {  	s3 =	sadd.s32 $0x88, s3;
	s6 =	simm.s32 @!p1 $0x1082;
	[sflag:s4] =	ssyncset.s32 $0xFFFFF086  }
0x25: {  	[simem:s6], [sflag:s4] =	dma.local [hbm:s3], $0xF7A  }
0x26: {  	[smem:$0x3F92] =	sst s1;
	(tag) =	ssettag s2;
	_ =	strace s9  }
0x27: {  	s1 =	sld [smem:$0x3FA2]  }
0x28: {  	s2 =	sld [smem:$0x3FA3]  }
0x29: {  	s4 =	sld [smem:$0x3FA5]  }
0x2a: {  	p0 =	seq.s32 s5, $0x0;
	s5 =	sld [smem:$0x3FA6]  }
0x2b: {  	s6 =	sld [smem:$0x3FA7]  }
0x2c: {  	s7 =	sld [smem:$0x3FA8]  }
0x2d: {  	s3 =	simm.s32 $0x108;
	s8 =	sld [smem:$0x3FA9]  }
0x2e: {  	s3 =	simm.s32 @!p0 $0x1082;
	s9 =	sld [smem:$0x3FAA]  }
0x2f: {  	lr =	sadd.s32 s0, s3;
	s0 =	sld [smem:$0x3FA1]  }
0x30: {  	s3 =	sld [smem:$0x3FA4]  }
0x31: {  	[smem:$0x3FAD] =	sst s10  }
0x32: {  	s10 =	sld [smem:$0x3FAB];
	_ =	sdelay $0x3  }
0x33: {  	p0 =	seq.s32 s10, $0x1;
	s10 =	sld [smem:$0x3FAD];
	_ =	sdelay $0x3  }
0x34: {  	[smem:$0x3FAD] =	sst s10  }
0x35: {  	s10 =	sld [smem:$0x3FAC];
	_ =	sdelay $0x3  }
0x36: {  	p1 =	seq.s32 s10, $0x1;
	s10 =	sld [smem:$0x3FAD];
	_ =	sdelay $0x3  }
0x37: {  	[smem:$0x3FAD] =	sst s10  }
0x38: {  	s10 =	sld [smem:$0x3FAE]  }
0x39: {  	_ = 	snop;
	(pc) =	sbr.ind lr, $3  }
0x3a: {  	_ = 	snop  }
0x3b: {  	_ = 	snop  }
0x3c: {  	p2 =	seq.s32 s10, $0x1;
	s10 =	sld [smem:$0x3FAD]  }
0x3d: {  	_ =	shalt  }
0x3e: {  	_ =	shalt  }
0x3f: {  	_ =	shalt  }
0x40: {  	_ =	shalt  }
0x41: {  	_ =	shalt  }
0x42: {  	_ =	shalt  }
0x43: {  	_ =	shalt  }
0x44: {  	_ =	shalt  }
0x45: {  	_ =	shalt  }
0x46: {  	_ =	shalt  }
0x47: {  	_ =	shalt  }
0x48: {  	_ =	shalt  }
0x49: {  	_ =	shalt  }
0x4a: {  	_ =	shalt  }
0x4b: {  	_ =	shalt  }
0x4c: {  	_ =	shalt  }
0x4d: {  	_ =	shalt  }
0x4e: {  	_ =	shalt  }
0x4f: {  	_ =	shalt  }
0x50: {  	_ =	shalt  }
0x51: {  	_ =	shalt  }
0x52: {  	_ =	shalt  }
0x53: {  	_ =	shalt  }
0x54: {  	_ =	shalt  }
0x55: {  	_ =	shalt  }
0x56: {  	_ =	shalt  }
0x57: {  	_ =	shalt  }
0x58: {  	_ =	shalt  }
0x59: {  	_ =	shalt  }
0x5a: {  	_ =	shalt  }
0x5b: {  	_ =	shalt  }
0x5c: {  	_ =	shalt  }
0x5d: {  	_ =	shalt  }
0x5e: {  	_ =	shalt  }
0x5f: {  	_ =	shalt  }
0x60: {  	_ =	shalt  }
0x61: {  	_ =	shalt  }
0x62: {  	_ =	shalt  }
0x63: {  	_ =	shalt  }
0x64: {  	_ =	shalt  }
0x65: {  	_ =	shalt  }
0x66: {  	_ =	shalt  }
0x67: {  	_ =	shalt  }
0x68: {  	_ =	shalt  }
0x69: {  	_ =	shalt  }
0x6a: {  	_ =	shalt  }
0x6b: {  	_ =	shalt  }
0x6c: {  	_ =	shalt  }
0x6d: {  	_ =	shalt  }
0x6e: {  	_ =	shalt  }
0x6f: {  	_ =	shalt  }
0x70: {  	_ =	shalt  }
0x71: {  	_ =	shalt  }
0x72: {  	_ =	shalt  }
0x73: {  	_ =	shalt  }
0x74: {  	_ =	shalt  }
0x75: {  	_ =	shalt  }
0x76: {  	_ =	shalt  }
0x77: {  	_ =	shalt  }
0x78: {  	_ =	shalt  }
0x79: {  	_ =	shalt  }
0x7a: {  	_ =	shalt  }
0x7b: {  	_ =	shalt  }
0x7c: {  	_ =	shalt  }
0x7d: {  	_ =	shalt  }
0x7e: {  	_ =	shalt  }
0x7f: {  	_ =	shalt  }
0x80: {  	_ =	shalt  }
0x81: {  	_ =	shalt  }
0x82: {  	_ =	shalt  }
0x83: {  	_ =	shalt  }
0x84: {  	_ =	shalt  }
0x85: {  	_ =	shalt  }
0x86: {  	_ =	shalt  }
0x87: {  	_ =	shalt  }
.Lfunc_end0:
.L_simem_size_0:
called_computation_lowered:
.L_overlay_start_0:
0x88: {  	s2 =	sld [smem:$0x3FD9]  }
0x89: {  	s3 =	sld [smem:$0x3FFE];
	_ =	sdelay $0x1  }
0x8a: {  	s1 =	srdreg.scid  }
0x8b: {  	s0 =	sand.u32 $0x1, s1  }
0x8c: {  	s17 =	sshll.u32 s0, $0xA;
	s2 =	sadd.s32 s3, s2  }
0x8d: {  	s2 =	sadd.s32 s2, s17  }
0x8e: {  	[smem:$0x3FB9] =	sst s2  }
0x8f: {  	_ = 	snop  }
0x90: {  	s2 =	sld [smem:$0x3FBD]  }
0x91: {  	s18 =	sld [smem:$0x3FBC]  }
0x92: {  	s4 =	sld [smem:$0x3FBB]  }
0x93: {  	s5 =	sld [smem:$0x3FD0];
	(tm) =	ssettm $0x1  }
0x94: {  	s6 =	sld [smem:$0x3FFB];
	_ =	sdelay $0x3  }
0x95: {  	_ =	strace s6  }
0x96: {  	s6 =	sld [smem:$0x3FFC];
	_ =	sdelay $0x3  }
0x97: {  	_ =	strace s6  }
0x98: {  	s6 =	sld [smem:$0x3FFD];
	_ =	sdelay $0x3  }
0x99: {  	_ =	strace s6  }
0x9a: {  	_ =	strace $0x8FFFFFFF  }
0x9b: {  	s19 =	sld [smem:$0x3FDB];
	_ =	sdelay $0x1  }
0x9c: {  	s7 =	simm.s32 $_scs_section_size  }
0x9d: {  	s8 =	simm.s32 $_size__tile_overlayer_lowered;
	s9 =	simm.s32 $_tile_overlayer_lowered  }
0x9e: {  	s22 =	simm.s32 $0x1BFF;
	s21 =	sshll.u32 s9, $0x1;
	s6 =	sadd.s32 s7, s19  }
0x9f: {  	s10 =	simm.s32 $0x0;
	s20 =	sshll.u32 s8, $0x1;
	s8 =	sadd.s32 s21, s6  }
0xa0: {  	[timem:s10], [sflag:s22] =	dma.local [hbm:s8], s20  }
0xa1: {  	_ =	swait.ge [sflag:s22], s20  }
0xa2: {  	s7 =	ssub.s32 $0x0, s20;
	[sflag:s22] =	ssyncset.done $0x0  }
0xa3: {  	[sflag:s22] =	ssyncadd.s32 s7;
	_ =	sdelay $0x1  }
0xa4: {  	s23 =	simm.s32 $0x1B8B  }
0xa5: {  	_ =	swait.ge [sflag:s23], $0x1  }
0xa6: {  	[sflag:s23] =	ssyncset.done $0x0  }
0xa7: {  	s25 =	simm.s32 $0x1B8E;
	s24 =	sld [smem:$0x3FFE];
	[sflag:s23] =	ssyncadd.s32 $0xFFFFFFFF  }
0xa8: {  	s26 =	simm.s32 $execute0_lowered;
	[smem:$0x3FD2] =	sst s25  }
0xa9: {  	s8 =	sshll.u32 s26, $0x1;
	_ =	strace $0x80000046;
	[dreg:$0x1] =	wrdreg $0xFFFFFFFF  }
0xaa: {  	s28 =	simm.s32 $_size_execute0_lowered;
	s6 =	sadd.s32 s6, s8;
	[dreg:$0x0] =	wrdreg $0x0  }
0xab: {  	s8 =	sshll.u32 s28, $0x1;
	[dreg:$0x2] =	wrdreg s6  }
0xac: {  	[dreg:$0x3] =	wrdreg s8  }
0xad: {  	[dreg:$0x4] =	wrdreg $0xC0  }
0xae: {  	_ =	task [dreg:s10], $0x5FFFF  }
0xaf: {  	[dreg:$0x1] =	wrdreg $0xFFFFFFFF  }
0xb0: {  	[dreg:$0x0] =	wrdreg $0x60  }
0xb1: {  	[dreg:$0x2] =	wrdreg s18  }
0xb2: {  	[dreg:$0x3] =	wrdreg s2  }
0xb3: {  	[dreg:$0x4] =	wrdreg s4  }
0xb4: {  	[dreg:$0x5] =	wrdreg s24  }
0xb5: {  	[dreg:$0x6] =	wrdreg s5  }
0xb6: {  	[dreg:$0x7] =	wrdreg $0xAF800  }
0xb7: {  	[dreg:$0x8] =	wrdreg $0x9  }
0xb8: {  	_ =	task.clear_ibuf [dreg:s10], $0x9FFFF;
	_ =	strace $0x90000046  }
0xb9: {  	s29 =	simm.s32 $0x9;
	_ =	strace $0x80000048  }
0xba: {  	_ =	swait.ge [sflag:s29], $0x1  }
0xbb: {  	[sflag:s29] =	ssyncadd.s32 $0xFFFFFFFF  }
0xbc: {  	_ =	strace $0x90000048  }
0xbd: {  	_ =	sfence  }
0xbe: {  	s30 =	sld [smem:$0x0];
	_ =	sdelay $0x2  }
0xbf: {  	s31 =	sshll.u32 s1, $0xD;
	s1 =	sshrl.u32 s1, $0x2  }
0xc0: {  	s3 =	sand.u32 $0x4000, s31;
	s1 =	sadd.s32 s1, s30  }
0xc1: {  	s0 =	sor.u32 s3, s0;
	s1 =	sshll.u32 s1, $0x11  }
0xc2: {  	s0 =	sor.u32 s1, s0  }
0xc3: {  	s0 =	sadd.s32 $0x8F2B, s0  }
0xc4: {  	[sflag:s0] =	ssyncadd.remote.s32 $0x1  }
0xc5: {  	_ =	sfence.sel $0xFFFF  }
0xc6: {  	[dreg:$0x0] =	wrdreg $0xFFFFFFFF;
	(pc) =	sbr.abs _section_cstart, $3  }
0xc7: {  	[dreg:$0x1] =	wrdreg $0xFFFFFFFF  }
0xc8: {  	_ =	task.clear_ibuf [dreg:s10], $0x2FFFF;
	_ =	strace $0x9FFFFFFF  }
0xc9: {  	(tm) =	ssettm $0x7FFFFFFF  }
tec
execute0_lowered:
.L_overlay_start_1:
0x0: {  	(tag) =	ssettag $0x1  }
0x1: {  	s0 =	rddreg [dreg:$0x0]  }
0x2: {  	s1 =	rddreg [dreg:$0x2]  }
0x3: {  	s3 =	rddreg [dreg:$0x3]  }
0x4: {  	s11 =	rddreg [dreg:$0x4]  }
0x5: {  	s2 =	rddreg [dreg:$0x5];
	s5 =	srdreg.scid;
	s4 =	simm.s32 $0x0  }
0x6: {  	s10 =	stileid.u32;
	s14 =	simm.s32 $0x7680;
	s16 =	simm.s32 $0x4  }
0x7: {  	s17 =	simm.s32 $0x80;
	s18 =	simm.s32 $0x9F00;
	s20 =	simm.s32 $0x2  }
0x8: {  	s22 =	simm.s32 $0xA380;
	s30 =	simm.s32 $0xA180;
	s31 =	simm.s32 $0xA580  }
0x9: {  	s19 =	simm.s32 $0xA300;
	s21 =	simm.s32 $0xA700;
	s23 =	simm.s32 $0x3  }
0xa: {  	s15 =	sand.u32 $0x1, s5;
	[smem:$0x7FF] =	sst s4;
	s24 =	sshll.u32 s10, $0x7  }
0xb: {  	s9 =	smul.u32 $0x1D80, s10;
	s13 =	sshll.u32 s10, $0x4;
	s28 =	sshll.u32 s10, $0x5  }
0xc: {  	s5 =	sshll.u32 s15, $0x4;
	_ =	strace $0x80000047;
	s6 =	ssub.s32 $0x2, s15  }
0xd: {  	s3 =	sadd.s32 s24, s3;
	s29 =	sshll.u32 s15, $0xB;
	s11 =	sadd.s32 s11, s13  }
0xe: {  	s24 =	simm.s32 $0x0;
	s8 =	sor.u32 s10, s5;
	s25 =	sshrl.u32 s6, $0x1  }
0xf: {  	s26 =	sshrl.u32 s9, $0x2;
	s9 =	simm.s32 $0x1;
	s3 =	sadd.s32 s29, s3  }
0x10: {  	s7 =	smul.u32 $0x9C0, s8;
	s12 =	ssub.s32 s6, s25;
	s6 =	sadd.s32 s1, s13  }
0x11: {  	v2 =	vimm.f32 $0.0e+00;
	p0 =	sgt.u32 s8, $0x3;
	p1 =	slt.u32 s8, $0x4;
	s1 =	simm.s32 $0x1  }
0x12: {  	v3 =	vimm.f32 $1.000000000e+00;
	v4 =	vlaneseq.u32;
	v5 =	vimm.s32 $0x0;
	s10 =	sadd.s32 $0x2200, s3;
	s13 =	simm.s32 $0x4F00;
	s1 =	simm.s32 @!p0 $0x0  }
0x13: {  	v6 =	vimm.s32 $0x7530;
	v7 =	vor.u32 $0x10, v4;
	s3 =	simm.s32 $0xA600;
	s5 =	sadd.s32 s0, s7;
	s0 =	sadd.s32 s28, s0;
	v0 =	vmov s1  }
0x14: {  	v8 =	vor.u32 $0x20, v4;
	v9 =	vor.u32 $0x30, v4;
	s12 =	smax.u32 s12, $0x1;
	s8 =	sadd.s32 $0x13800, s0;
	s0 =	simm.s32 $0x1;
	v1 =	vmul.u32 $0x7530, v0  }
0x15: {  	v10 =	vor.u32 $0x40, v4;
	v11 =	vor.u32 $0x50, v4;
	v12 =	vor.u32 $0x60, v4;
	s7 =	sadd.s32 s26, s2;
	s1 =	simm.s32 $0xA280;
	s0 =	simm.s32 @!p1 $0x0  }
0x16: {  	v13 =	vor.u32 $0x70, v4;
	p1 =	sne.s32 s15, $0x0;
	s15 =	simm.s32 $0xA680;
	v0 =	vmov s0;
	v1 =	vbroadcast v1, $0x0;
	s0 =	simm.s32 $0xA200  }
.LBB2_1:
0x17: {  	[tilespmem:s4], [sflag:$0x1] =	stream.linear.gather [hbm4b:s5+s4], $0x4E00, $0x38;
	[tilespmem:$0xB6E0] =	vst v63  }
0x18: {  	s25 =	rddreg [dreg:$0x1]  }
0x19: {  	[tilespmem:s13], [sflag:$0x1] =	stream.linear.gather [hbm4b:s25+s4], $0x2780, $0x38;
	[tilespmem:$0xB6E0] =	vst v63  }
0x1a: {  	s26 =	simm.s32 $0x0;
	s25 =	simm.s32 $0x40  }
0x1b: {  	[tilespmem:s14], [sflag:$0x1] =	stream.linear.gather [hbm4b:s6+s4], $0x80, $0x38;
	[tilespmem:$0xB6E0] =	vst v63  }
.LBB2_2:
0x1c: {  	p2 =	sne.s32 s25, $0x1D40;
	[tilespmem:s26+$0xA800] =	vst v2;
	s26 =	smov.u32 s25;
	s25 =	sadd.s32 $0x40, s25  }
.Ltmp0:
0x1d: {  	(pc) =	sbr.rel @p2 .LBB2_2-.Ltmp0, $2  }
0x1e: {  	_ =	sdelay $0x2  }
0x1f: {  	s26 =	sshra.s32 s26, $0x2  }
0x20: {  	[tilespmem:s26+$0xA800] =	vst v2;
	s25 =	simm.s32 $0xA800  }
0x21: {  	[spmem:s7] =	stream.linear.scatter [tilespmem:s25], [sflag:$0x4], $0x760, $0x38;
	[tilespmem:$0xB6E0] =	vst v63  }
0x22: {  	_ =	swait.ge [sflag:s16], $0x760  }
0x23: {  	[sflag:s16] =	ssyncset.done $0x0  }
0x24: {  	[sflag:s16] =	ssyncadd.s32 $0xFFFFF8A0  }
0x25: {  	[tilespmem:$0x9F00] =	vst v3  }
0x26: {  	[tilespmem:$0x9F10] =	vst v3  }
0x27: {  	[tilespmem:$0x9F20] =	vst v3  }
0x28: {  	[tilespmem:$0x9F30] =	vst v3  }
0x29: {  	[tilespmem:$0x9F40] =	vst v3  }
0x2a: {  	[tilespmem:$0x9F50] =	vst v3  }
0x2b: {  	[tilespmem:$0x9F60] =	vst v3  }
0x2c: {  	[tilespmem:$0x9F70] =	vst v3  }
0x2d: {  	[tilespmem:$0x4E00] =	vst v5  }
0x2e: {  	[tilespmem:$0x4E10] =	vst v5  }
0x2f: {  	[tilespmem:$0x4E20] =	vst v5  }
0x30: {  	[tilespmem:$0x4E30] =	vst v5  }
0x31: {  	[tilespmem:$0x4E40] =	vst v5  }
0x32: {  	[tilespmem:$0x4E50] =	vst v5  }
0x33: {  	[tilespmem:$0x4E60] =	vst v5  }
0x34: {  	[tilespmem:$0x4E70] =	vst v5  }
0x35: {  	[tilespmem:$0x4E80] =	vst v5  }
0x36: {  	[tilespmem:$0x4E90] =	vst v5  }
0x37: {  	[tilespmem:$0x4EA0] =	vst v5  }
0x38: {  	[tilespmem:$0x4EB0] =	vst v5  }
0x39: {  	[tilespmem:$0x4EC0] =	vst v5  }
0x3a: {  	[tilespmem:$0x4ED0] =	vst v5  }
0x3b: {  	[tilespmem:$0x4EE0] =	vst v5  }
0x3c: {  	s26 =	simm.s32 @!p0 $0x4E00;
	s25 =	simm.s32 @!p0 $0x0;
	[tilespmem:$0x4EF0] =	vst v5  }
0x3d: {  	[tilespmem:s26], [sflag:$0x4] =	stream.linear.gather @!p0 [hbm4b:s8+s25], $0x100, $0x38;
	[tilespmem:$0xB6E0] =	vst v63  }
0x3e: {  	s25 =	simm.s32 @!p0 $0x4  }
0x3f: {  	_ =	swait.ge @!p0 [sflag:s25], $0x100  }
0x40: {  	[sflag:s25] =	ssyncset.done @!p0 $0x0  }
0x41: {  	[sflag:s25] =	ssyncadd.s32 @!p0 $0xFFFFFF00  }
0x42: {  	_ =	swait.ge [sflag:s9], $0x4E00  }
0x43: {  	[sflag:s9] =	ssyncset.done $0x0  }
0x44: {  	[sflag:s9] =	ssyncadd.s32 $0xFFFFB200  }
0x45: {  	_ =	swait.ge [sflag:s9], $0x2780  }
0x46: {  	[sflag:s9] =	ssyncset.done $0x0  }
0x47: {  	[sflag:s9] =	ssyncadd.s32 $0xFFFFD880  }
0x48: {  	_ =	swait.ge [sflag:s9], $0x80  }
0x49: {  	[sflag:s9] =	ssyncset.done $0x0  }
0x4a: {  	s28 =	simm.s32 $0x80;
	[sflag:s9] =	ssyncadd.s32 $0xFFFFFF80  }
0x4b: {  	s26 =	simm.s32 $0x7700;
	s25 =	simm.s32 $0x0;
	[bflag:$0x0] =	sbarrier.arrive $0xFFFF  }
.LBB2_4:
0x4c: {  	v14 =	vld [tilespmem:s28+$0xFFFFFF80];
	_ =	sdelay $0x5  }
0x4d: {  	v15 =	vld [tilespmem:s28+$0x0];
	_ =	sdelay $0x1  }
0x4e: {  	v14 =	vld.idx.msk [tilespmem:v14+s13+$0x0], $0xffff;
	_ =	sdelay $0x2  }
0x4f: {  	v15 =	vmul.u32 $0x3, v15;
	_ =	sdelay $0x1  }
0x50: {  	v14 =	vadd.s32 v14, v15  }
0x51: {  	[tilespmem:s26+$0x0] =	vst v14  }
0x52: {  	v14 =	vld [tilespmem:s28+$0xFFFFFF90];
	_ =	sdelay $0x5  }
0x53: {  	v15 =	vld [tilespmem:s28+$0x10];
	_ =	sdelay $0x1  }
0x54: {  	v14 =	vld.idx.msk [tilespmem:v14+s13+$0x0], $0xffff;
	_ =	sdelay $0x2  }
0x55: {  	v15 =	vmul.u32 $0x3, v15;
	_ =	sdelay $0x1  }
0x56: {  	v14 =	vadd.s32 v14, v15  }
0x57: {  	[tilespmem:s26+$0x10] =	vst v14  }
0x58: {  	v14 =	vld [tilespmem:s28+$0xFFFFFFA0];
	_ =	sdelay $0x5  }
0x59: {  	v15 =	vld [tilespmem:s28+$0x20];
	_ =	sdelay $0x1  }
0x5a: {  	v14 =	vld.idx.msk [tilespmem:v14+s13+$0x0], $0xffff;
	_ =	sdelay $0x2  }
0x5b: {  	v15 =	vmul.u32 $0x3, v15;
	_ =	sdelay $0x1  }
0x5c: {  	v14 =	vadd.s32 v14, v15  }
0x5d: {  	[tilespmem:s26+$0x20] =	vst v14  }
0x5e: {  	v14 =	vld [tilespmem:s28+$0xFFFFFFB0];
	_ =	sdelay $0x5  }
0x5f: {  	v15 =	vld [tilespmem:s28+$0x30];
	_ =	sdelay $0x1  }
0x60: {  	v14 =	vld.idx.msk [tilespmem:v14+s13+$0x0], $0xffff;
	_ =	sdelay $0x2  }
0x61: {  	v15 =	vmul.u32 $0x3, v15;
	_ =	sdelay $0x1  }
0x62: {  	v14 =	vadd.s32 v14, v15  }
0x63: {  	[tilespmem:s26+$0x30] =	vst v14  }
0x64: {  	v14 =	vld [tilespmem:s28+$0xFFFFFFC0];
	_ =	sdelay $0x5  }
0x65: {  	v15 =	vld [tilespmem:s28+$0x40];
	_ =	sdelay $0x1  }
0x66: {  	v14 =	vld.idx.msk [tilespmem:v14+s13+$0x0], $0xffff;
	_ =	sdelay $0x2  }
0x67: {  	v15 =	vmul.u32 $0x3, v15;
	_ =	sdelay $0x1  }
0x68: {  	v14 =	vadd.s32 v14, v15  }
0x69: {  	[tilespmem:s26+$0x40] =	vst v14  }
0x6a: {  	v14 =	vld [tilespmem:s28+$0xFFFFFFD0];
	_ =	sdelay $0x5  }
0x6b: {  	v15 =	vld [tilespmem:s28+$0x50];
	_ =	sdelay $0x1  }
0x6c: {  	v14 =	vld.idx.msk [tilespmem:v14+s13+$0x0], $0xffff;
	_ =	sdelay $0x2  }
0x6d: {  	v15 =	vmul.u32 $0x3, v15;
	_ =	sdelay $0x1  }
0x6e: {  	v14 =	vadd.s32 v14, v15  }
0x6f: {  	[tilespmem:s26+$0x50] =	vst v14  }
0x70: {  	v14 =	vld [tilespmem:s28+$0xFFFFFFE0];
	_ =	sdelay $0x5  }
0x71: {  	v15 =	vld [tilespmem:s28+$0x60];
	_ =	sdelay $0x1  }
0x72: {  	v14 =	vld.idx.msk [tilespmem:v14+s13+$0x0], $0xffff;
	_ =	sdelay $0x2  }
0x73: {  	v15 =	vmul.u32 $0x3, v15;
	_ =	sdelay $0x1  }
0x74: {  	v14 =	vadd.s32 v14, v15  }
0x75: {  	[tilespmem:s26+$0x60] =	vst v14  }
0x76: {  	v14 =	vld [tilespmem:s28+$0xFFFFFFF0];
	_ =	sdelay $0x5  }
0x77: {  	v15 =	vld [tilespmem:s28+$0x70];
	_ =	sdelay $0x1  }
0x78: {  	v14 =	vld.idx.msk [tilespmem:v14+s13+$0x0], $0xffff;
	_ =	sdelay $0x2  }
0x79: {  	v15 =	vmul.u32 $0x3, v15  }
0x7a: {  	p2 =	slt.u32 s25, $0x10;
	s25 =	sadd.s32 $0x1, s25  }
0x7b: {  	p3 =	sne.s32 s25, $0x4E;
	v14 =	vadd.s32 v14, v15  }
.Ltmp1:
0x7c: {  	s29 =	simm.s32 @!p2 $0x2;
	[tilespmem:s26+$0x70] =	vst v14;
	(pc) =	sbr.rel @p3 .LBB2_4-.Ltmp1, $4  }
0x7d: {  	[spmem:s2] =	stream.indirect.scatter.add.f32 [tilespmem:s18], [sflag:$0x2], $0x1, s26, s17, $0xb8;
	[tilespmem:$0xB6E0] =	vst v63  }
0x7e: {  	_ =	swait.ge @!p2 [sflag:s29], $0x80  }
0x7f: {  	[sflag:s29] =	ssyncset.done @!p2 $0x0  }
0x80: {  	s28 =	sadd.s32 $0x100, s28;
	s26 =	sadd.s32 $0x80, s26;
	[sflag:s29] =	ssyncadd.s32 @!p2 $0xFFFFFF80  }
0x81: {  	v14 =	vld [tilespmem:$0x4E00];
	_ =	sdelay $0x5  }
0x82: {  	v15 =	vld [tilespmem:$0x4E80];
	_ =	sdelay $0x1  }
0x83: {  	v14 =	vld.idx.msk [tilespmem:v14+s13+$0x0], $0xffff;
	_ =	sdelay $0x1  }
0x84: {  	v16 =	vld [tilespmem:$0x4E10]  }
0x85: {  	v15 =	vmul.u32 $0x3, v15;
	_ =	sdelay $0x1  }
0x86: {  	v14 =	vadd.s32 v14, v15  }
0x87: {  	v14 =	vmul.u32 v0, v14;
	_ =	sdelay $0x1  }
0x88: {  	v15 =	vld [tilespmem:$0x4E90];
	v14 =	vadd.s32 v1, v14  }
0x89: {  	[tilespmem:$0x9E00] =	vst v14  }
0x8a: {  	v14 =	vld.idx.msk [tilespmem:v16+s13+$0x0], $0xffff;
	_ =	sdelay $0x1  }
0x8b: {  	v58 =	vld [tilespmem:$0x4E20]  }
0x8c: {  	v15 =	vmul.u32 $0x3, v15;
	_ =	sdelay $0x1  }
0x8d: {  	v14 =	vadd.s32 v14, v15  }
0x8e: {  	v14 =	vmul.u32 v0, v14;
	_ =	sdelay $0x1  }
0x8f: {  	v15 =	vld [tilespmem:$0x4EA0];
	v14 =	vadd.s32 v1, v14  }
0x90: {  	[tilespmem:$0x9E10] =	vst v14  }
0x91: {  	v14 =	vld.idx.msk [tilespmem:v58+s13+$0x0], $0xffff;
	_ =	sdelay $0x1  }
0x92: {  	v59 =	vld [tilespmem:$0x4E30]  }
0x93: {  	v15 =	vmul.u32 $0x3, v15;
	_ =	sdelay $0x1  }
0x94: {  	v14 =	vadd.s32 v14, v15  }
0x95: {  	v14 =	vmul.u32 v0, v14;
	_ =	sdelay $0x1  }
0x96: {  	v15 =	vld [tilespmem:$0x4EB0];
	v14 =	vadd.s32 v1, v14  }
0x97: {  	[tilespmem:$0x9E20] =	vst v14  }
0x98: {  	v14 =	vld.idx.msk [tilespmem:v59+s13+$0x0], $0xffff;
	_ =	sdelay $0x1  }
0x99: {  	v60 =	vld [tilespmem:$0x4E40]  }
0x9a: {  	v15 =	vmul.u32 $0x3, v15;
	_ =	sdelay $0x1  }
0x9b: {  	v14 =	vadd.s32 v14, v15  }
0x9c: {  	v14 =	vmul.u32 v0, v14;
	_ =	sdelay $0x1  }
0x9d: {  	v15 =	vld [tilespmem:$0x4EC0];
	v14 =	vadd.s32 v1, v14  }
0x9e: {  	[tilespmem:$0x9E30] =	vst v14  }
0x9f: {  	v14 =	vld.idx.msk [tilespmem:v60+s13+$0x0], $0xffff;
	_ =	sdelay $0x1  }
0xa0: {  	v61 =	vld [tilespmem:$0x4E50]  }
0xa1: {  	v15 =	vmul.u32 $0x3, v15;
	_ =	sdelay $0x1  }
0xa2: {  	v14 =	vadd.s32 v14, v15  }
0xa3: {  	v14 =	vmul.u32 v0, v14;
	_ =	sdelay $0x1  }
0xa4: {  	v15 =	vld [tilespmem:$0x4ED0];
	v14 =	vadd.s32 v1, v14  }
0xa5: {  	[tilespmem:$0x9E40] =	vst v14  }
0xa6: {  	v14 =	vld.idx.msk [tilespmem:v61+s13+$0x0], $0xffff;
	_ =	sdelay $0x1  }
0xa7: {  	v62 =	vld [tilespmem:$0x4E60]  }
0xa8: {  	v15 =	vmul.u32 $0x3, v15;
	_ =	sdelay $0x1  }
0xa9: {  	v14 =	vadd.s32 v14, v15  }
0xaa: {  	v14 =	vmul.u32 v0, v14;
	_ =	sdelay $0x1  }
0xab: {  	v15 =	vld [tilespmem:$0x4EE0];
	v14 =	vadd.s32 v1, v14  }
0xac: {  	[tilespmem:$0x9E50] =	vst v14  }
0xad: {  	v14 =	vld.idx.msk [tilespmem:v62+s13+$0x0], $0xffff;
	_ =	sdelay $0x1  }
0xae: {  	v63 =	vld [tilespmem:$0x4E70]  }
0xaf: {  	v15 =	vmul.u32 $0x3, v15;
	_ =	sdelay $0x1  }
0xb0: {  	v14 =	vadd.s32 v14, v15  }
0xb1: {  	v14 =	vmul.u32 v0, v14;
	_ =	sdelay $0x1  }
0xb2: {  	v15 =	vld [tilespmem:$0x4EF0];
	v14 =	vadd.s32 v1, v14  }
0xb3: {  	[tilespmem:$0x9E60] =	vst v14  }
0xb4: {  	v14 =	vld.idx.msk [tilespmem:v63+s13+$0x0], $0xffff;
	_ =	sdelay $0x2  }
0xb5: {  	v15 =	vmul.u32 $0x3, v15;
	_ =	sdelay $0x1  }
0xb6: {  	v14 =	vadd.s32 v14, v15  }
0xb7: {  	v14 =	vmul.u32 v0, v14;
	_ =	sdelay $0x1  }
0xb8: {  	v14 =	vadd.s32 v1, v14  }
0xb9: {  	s25 =	simm.s32 $0x9E00;
	[tilespmem:$0x9E70] =	vst v14  }
0xba: {  	[spmem:s2] =	stream.indirect.scatter.add.f32 [tilespmem:s18], [sflag:$0x2], $0x1, s25, s17, $0xb8;
	[tilespmem:$0xB6E0] =	vst v63  }
0xbb: {  	_ =	swait.ge [sflag:s20], $0x80  }
0xbc: {  	[sflag:s20] =	ssyncset.done $0x0  }
0xbd: {  	[sflag:s20] =	ssyncadd.s32 $0xFFFFFF80  }
0xbe: {  	_ =	swait.ge [sflag:s20], $0x80  }
0xbf: {  	[sflag:s20] =	ssyncset.done $0x0  }
0xc0: {  	[sflag:s20] =	ssyncadd.s32 $0xFFFFFF80  }
0xc1: {  	_ =	swait.ge [sflag:s20], $0x80  }
0xc2: {  	[sflag:s20] =	ssyncset.done $0x0  }
0xc3: {  	[sflag:s20] =	ssyncadd.s32 $0xFFFFFF80  }
0xc4: {  	_ =	swait.ge [sflag:s20], $0x80  }
0xc5: {  	[sflag:s20] =	ssyncset.done $0x0  }
0xc6: {  	[sflag:s20] =	ssyncadd.s32 $0xFFFFFF80  }
0xc7: {  	_ =	swait.ge [sflag:s20], $0x80  }
0xc8: {  	[sflag:s20] =	ssyncset.done $0x0  }
0xc9: {  	[sflag:s20] =	ssyncadd.s32 $0xFFFFFF80  }
0xca: {  	_ =	swait.ge [sflag:s20], $0x80  }
0xcb: {  	[sflag:s20] =	ssyncset.done $0x0  }
0xcc: {  	[sflag:s20] =	ssyncadd.s32 $0xFFFFFF80  }
0xcd: {  	_ =	swait.ge [sflag:s20], $0x80  }
0xce: {  	[sflag:s20] =	ssyncset.done $0x0  }
0xcf: {  	[sflag:s20] =	ssyncadd.s32 $0xFFFFFF80  }
0xd0: {  	_ =	swait.ge [sflag:s20], $0x80  }
0xd1: {  	[sflag:s20] =	ssyncset.done $0x0  }
0xd2: {  	[sflag:s20] =	ssyncadd.s32 $0xFFFFFF80  }
0xd3: {  	_ =	swait.ge [sflag:s20], $0x80  }
0xd4: {  	[sflag:s20] =	ssyncset.done $0x0  }
0xd5: {  	[sflag:s20] =	ssyncadd.s32 $0xFFFFFF80  }
0xd6: {  	_ =	swait.ge [sflag:s20], $0x80  }
0xd7: {  	[sflag:s20] =	ssyncset.done $0x0  }
0xd8: {  	[sflag:s20] =	ssyncadd.s32 $0xFFFFFF80  }
0xd9: {  	_ =	swait.ge [sflag:s20], $0x80  }
0xda: {  	[sflag:s20] =	ssyncset.done $0x0  }
0xdb: {  	[sflag:s20] =	ssyncadd.s32 $0xFFFFFF80  }
0xdc: {  	_ =	swait.ge [sflag:s20], $0x80  }
0xdd: {  	[sflag:s20] =	ssyncset.done $0x0  }
0xde: {  	[sflag:s20] =	ssyncadd.s32 $0xFFFFFF80  }
0xdf: {  	_ =	swait.ge [sflag:s20], $0x80  }
0xe0: {  	[sflag:s20] =	ssyncset.done $0x0  }
0xe1: {  	[sflag:s20] =	ssyncadd.s32 $0xFFFFFF80  }
0xe2: {  	_ =	swait.ge [sflag:s20], $0x80  }
0xe3: {  	[sflag:s20] =	ssyncset.done $0x0  }
0xe4: {  	[sflag:s20] =	ssyncadd.s32 $0xFFFFFF80  }
0xe5: {  	_ =	swait.ge [sflag:s20], $0x80  }
0xe6: {  	[sflag:s20] =	ssyncset.done $0x0  }
0xe7: {  	[sflag:s20] =	ssyncadd.s32 $0xFFFFFF80  }
0xe8: {  	_ =	swait.ge [sflag:s20], $0x80  }
0xe9: {  	[sflag:s20] =	ssyncset.done $0x0  }
0xea: {  	[sflag:s20] =	ssyncadd.s32 $0xFFFFFF80  }
0xeb: {  	_ =	swait.ge [sflag:s20], $0x80  }
0xec: {  	[sflag:s20] =	ssyncset.done $0x0  }
0xed: {  	[sflag:s20] =	ssyncadd.s32 $0xFFFFFF80  }
0xee: {  	[bflag:$0x0] =	sbarrier.arrive $0xFFFF  }
0xef: {  	v14 =	vld.idx.msk [tilespmem:v4+s14+$0x0], $0xffff;
	_ =	sdelay $0x7  }
0xf0: {  	v15 =	vld.idx.msk [tilespmem:v14+s13+$0x0], $0xffff;
	[tilespmem:$0xA100] =	vst v6  }
0xf1: {  	[tilespmem:$0xA180] =	vst v6  }
0xf2: {  	[tilespmem:$0xA200] =	vst v6  }
0xf3: {  	v14 =	vmul.u32 $0x3, v14;
	[tilespmem:$0xA280] =	vst v6  }
0xf4: {  	[tilespmem:$0xA300] =	vst v6  }
0xf5: {  	[tilespmem:$0x9F80] =	vst v14  }
0xf6: {  	[tilespmem:$0xA780] =	vst v15;
	v15 =	vadd.s32 $0x1, v14  }
0xf7: {  	v14 =	vadd.s32 $0x2, v14;
	[tilespmem:$0xA000] =	vst v15  }
0xf8: {  	[tilespmem:$0xA080] =	vst v14  }
0xf9: {  	v14 =	vld.idx.msk [tilespmem:v7+s14+$0x0], $0xffff;
	_ =	sdelay $0x7  }
0xfa: {  	v15 =	vld.idx.msk [tilespmem:v14+s13+$0x0], $0xffff;
	[tilespmem:$0xA110] =	vst v6  }
0xfb: {  	[tilespmem:$0xA190] =	vst v6  }
0xfc: {  	[tilespmem:$0xA210] =	vst v6  }
0xfd: {  	v14 =	vmul.u32 $0x3, v14;
	[tilespmem:$0xA290] =	vst v6  }
0xfe: {  	[tilespmem:$0xA310] =	vst v6  }
0xff: {  	[tilespmem:$0x9F90] =	vst v14  }
0x100: {  	[tilespmem:$0xA790] =	vst v15;
	v15 =	vadd.s32 $0x1, v14  }
0x101: {  	v14 =	vadd.s32 $0x2, v14;
	[tilespmem:$0xA010] =	vst v15  }
0x102: {  	[tilespmem:$0xA090] =	vst v14  }
0x103: {  	v14 =	vld.idx.msk [tilespmem:v8+s14+$0x0], $0xffff;
	_ =	sdelay $0x7  }
0x104: {  	v15 =	vld.idx.msk [tilespmem:v14+s13+$0x0], $0xffff;
	[tilespmem:$0xA120] =	vst v6  }
0x105: {  	[tilespmem:$0xA1A0] =	vst v6  }
0x106: {  	[tilespmem:$0xA220] =	vst v6  }
0x107: {  	v14 =	vmul.u32 $0x3, v14;
	[tilespmem:$0xA2A0] =	vst v6  }
0x108: {  	[tilespmem:$0xA320] =	vst v6  }
0x109: {  	[tilespmem:$0x9FA0] =	vst v14  }
0x10a: {  	[tilespmem:$0xA7A0] =	vst v15;
	v15 =	vadd.s32 $0x1, v14  }
0x10b: {  	v14 =	vadd.s32 $0x2, v14;
	[tilespmem:$0xA020] =	vst v15  }
0x10c: {  	[tilespmem:$0xA0A0] =	vst v14  }
0x10d: {  	v14 =	vld.idx.msk [tilespmem:v9+s14+$0x0], $0xffff;
	_ =	sdelay $0x7  }
0x10e: {  	v15 =	vld.idx.msk [tilespmem:v14+s13+$0x0], $0xffff;
	[tilespmem:$0xA130] =	vst v6  }
0x10f: {  	[tilespmem:$0xA1B0] =	vst v6  }
0x110: {  	[tilespmem:$0xA230] =	vst v6  }
0x111: {  	v14 =	vmul.u32 $0x3, v14;
	[tilespmem:$0xA2B0] =	vst v6  }
0x112: {  	[tilespmem:$0xA330] =	vst v6  }
0x113: {  	[tilespmem:$0x9FB0] =	vst v14  }
0x114: {  	[tilespmem:$0xA7B0] =	vst v15;
	v15 =	vadd.s32 $0x1, v14  }
0x115: {  	v14 =	vadd.s32 $0x2, v14;
	[tilespmem:$0xA030] =	vst v15  }
0x116: {  	[tilespmem:$0xA0B0] =	vst v14  }
0x117: {  	v14 =	vld.idx.msk [tilespmem:v10+s14+$0x0], $0xffff;
	_ =	sdelay $0x7  }
0x118: {  	v15 =	vld.idx.msk [tilespmem:v14+s13+$0x0], $0xffff;
	[tilespmem:$0xA140] =	vst v6  }
0x119: {  	[tilespmem:$0xA1C0] =	vst v6  }
0x11a: {  	[tilespmem:$0xA240] =	vst v6  }
0x11b: {  	v14 =	vmul.u32 $0x3, v14;
	[tilespmem:$0xA2C0] =	vst v6  }
0x11c: {  	[tilespmem:$0xA340] =	vst v6  }
0x11d: {  	[tilespmem:$0x9FC0] =	vst v14  }
0x11e: {  	[tilespmem:$0xA7C0] =	vst v15;
	v15 =	vadd.s32 $0x1, v14  }
0x11f: {  	v14 =	vadd.s32 $0x2, v14;
	[tilespmem:$0xA040] =	vst v15  }
0x120: {  	[tilespmem:$0xA0C0] =	vst v14  }
0x121: {  	v14 =	vld.idx.msk [tilespmem:v11+s14+$0x0], $0xffff;
	_ =	sdelay $0x7  }
0x122: {  	v15 =	vld.idx.msk [tilespmem:v14+s13+$0x0], $0xffff;
	[tilespmem:$0xA150] =	vst v6  }
0x123: {  	[tilespmem:$0xA1D0] =	vst v6  }
0x124: {  	[tilespmem:$0xA250] =	vst v6  }
0x125: {  	v14 =	vmul.u32 $0x3, v14;
	[tilespmem:$0xA2D0] =	vst v6  }
0x126: {  	[tilespmem:$0xA350] =	vst v6  }
0x127: {  	[tilespmem:$0x9FD0] =	vst v14  }
0x128: {  	[tilespmem:$0xA7D0] =	vst v15;
	v15 =	vadd.s32 $0x1, v14  }
0x129: {  	v14 =	vadd.s32 $0x2, v14;
	[tilespmem:$0xA050] =	vst v15  }
0x12a: {  	[tilespmem:$0xA0D0] =	vst v14  }
0x12b: {  	v14 =	vld.idx.msk [tilespmem:v12+s14+$0x0], $0xffff;
	_ =	sdelay $0x7  }
0x12c: {  	v15 =	vld.idx.msk [tilespmem:v14+s13+$0x0], $0xffff;
	[tilespmem:$0xA160] =	vst v6  }
0x12d: {  	[tilespmem:$0xA1E0] =	vst v6  }
0x12e: {  	[tilespmem:$0xA260] =	vst v6  }
0x12f: {  	v14 =	vmul.u32 $0x3, v14;
	[tilespmem:$0xA2E0] =	vst v6  }
0x130: {  	[tilespmem:$0xA360] =	vst v6  }
0x131: {  	[tilespmem:$0x9FE0] =	vst v14  }
0x132: {  	[tilespmem:$0xA7E0] =	vst v15;
	v15 =	vadd.s32 $0x1, v14  }
0x133: {  	v14 =	vadd.s32 $0x2, v14;
	[tilespmem:$0xA060] =	vst v15  }
0x134: {  	[tilespmem:$0xA0E0] =	vst v14  }
0x135: {  	v14 =	vld.idx.msk [tilespmem:v13+s14+$0x0], $0xffff;
	_ =	sdelay $0x7  }
0x136: {  	v15 =	vld.idx.msk [tilespmem:v14+s13+$0x0], $0xffff;
	[tilespmem:$0xA170] =	vst v6  }
0x137: {  	[tilespmem:$0xA1F0] =	vst v6  }
0x138: {  	[tilespmem:$0xA270] =	vst v6  }
0x139: {  	v14 =	vmul.u32 $0x3, v14;
	[tilespmem:$0xA2F0] =	vst v6  }
0x13a: {  	[tilespmem:$0xA370] =	vst v6  }
0x13b: {  	[tilespmem:$0x9FF0] =	vst v14  }
0x13c: {  	[tilespmem:$0xA7F0] =	vst v15;
	v15 =	vadd.s32 $0x1, v14  }
0x13d: {  	v14 =	vadd.s32 $0x2, v14;
	[tilespmem:$0xA070] =	vst v15  }
0x13e: {  	s28 =	simm.s32 $0x9F80;
	[tilespmem:$0xA0F0] =	vst v14  }
0x13f: {  	[tilespmem:s22], [sflag:$0x3] =	stream.indirect.gather [spmem:s2], $0x1, s28, s17, $0xb8;
	[tilespmem:$0xB6E0] =	vst v63  }
0x140: {  	s29 =	simm.s32 $0xA000;
	s26 =	simm.s32 $0xA400  }
0x141: {  	[tilespmem:s26], [sflag:$0x3] =	stream.indirect.gather [spmem:s2], $0x1, s29, s17, $0xb8;
	[tilespmem:$0xB6E0] =	vst v63  }
0x142: {  	s28 =	simm.s32 $0xA080;
	s29 =	simm.s32 $0xA480  }
0x143: {  	[tilespmem:s29], [sflag:$0x3] =	stream.indirect.gather [spmem:s2], $0x1, s28, s17, $0xb8;
	[tilespmem:$0xB6E0] =	vst v63  }
0x144: {  	s28 =	simm.s32 $0xA100;
	s29 =	simm.s32 $0xA500  }
0x145: {  	[tilespmem:s29], [sflag:$0x3] =	stream.indirect.gather [spmem:s2], $0x1, s28, s17, $0xb8;
	[tilespmem:$0xB6E0] =	vst v63  }
0x146: {  	_ = 	snop  }
0x147: {  	[tilespmem:s31], [sflag:$0x3] =	stream.indirect.gather [spmem:s2], $0x1, s30, s17, $0xb8;
	[tilespmem:$0xB6E0] =	vst v63  }
0x148: {  	_ = 	snop  }
0x149: {  	[tilespmem:s3], [sflag:$0x3] =	stream.indirect.gather [spmem:s2], $0x1, s0, s17, $0xb8;
	[tilespmem:$0xB6E0] =	vst v63  }
0x14a: {  	_ = 	snop  }
0x14b: {  	[tilespmem:s15], [sflag:$0x3] =	stream.indirect.gather [spmem:s2], $0x1, s1, s17, $0xb8;
	[tilespmem:$0xB6E0] =	vst v63  }
0x14c: {  	_ = 	snop  }
0x14d: {  	[tilespmem:s21], [sflag:$0x3] =	stream.indirect.gather [spmem:s2], $0x1, s19, s17, $0xb8;
	[tilespmem:$0xB6E0] =	vst v63  }
0x14e: {  	_ =	swait.ge [sflag:s23], $0x80  }
0x14f: {  	[sflag:s23] =	ssyncset.done $0x0  }
0x150: {  	[sflag:s23] =	ssyncadd.s32 $0xFFFFFF80  }
0x151: {  	_ =	swait.ge [sflag:s23], $0x80  }
0x152: {  	[sflag:s23] =	ssyncset.done $0x0  }
0x153: {  	[sflag:s23] =	ssyncadd.s32 $0xFFFFFF80  }
0x154: {  	_ =	swait.ge [sflag:s23], $0x80  }
0x155: {  	[sflag:s23] =	ssyncset.done $0x0  }
0x156: {  	[sflag:s23] =	ssyncadd.s32 $0xFFFFFF80  }
0x157: {  	_ =	swait.ge [sflag:s23], $0x80  }
0x158: {  	[sflag:s23] =	ssyncset.done $0x0  }
0x159: {  	[sflag:s23] =	ssyncadd.s32 $0xFFFFFF80  }
0x15a: {  	_ =	swait.ge [sflag:s23], $0x80  }
0x15b: {  	[sflag:s23] =	ssyncset.done $0x0  }
0x15c: {  	[sflag:s23] =	ssyncadd.s32 $0xFFFFFF80  }
0x15d: {  	_ =	swait.ge [sflag:s23], $0x80  }
0x15e: {  	[sflag:s23] =	ssyncset.done $0x0  }
0x15f: {  	[sflag:s23] =	ssyncadd.s32 $0xFFFFFF80  }
0x160: {  	_ =	swait.ge [sflag:s23], $0x80  }
0x161: {  	[sflag:s23] =	ssyncset.done $0x0  }
0x162: {  	[sflag:s23] =	ssyncadd.s32 $0xFFFFFF80  }
0x163: {  	_ =	swait.ge [sflag:s23], $0x80  }
0x164: {  	[sflag:s23] =	ssyncset.done $0x0  }
0x165: {  	[sflag:s23] =	ssyncadd.s32 $0xFFFFFF80  }
0x166: {  	[hbm4b:s10+s4] =	stream.linear.scatter [tilespmem:s22], [sflag:$0x4], $0x400, $0x38;
	[tilespmem:$0xB6E0] =	vst v63  }
0x167: {  	s24 =	sadd.s32 $0x1, s24;
	_ =	swait.ge [sflag:s16], $0x400  }
0x168: {  	p2 =	sne.s32 s24, s12;
	[sflag:s16] =	ssyncset.done $0x0  }
0x169: {  	s25 =	simm.s32 @!p1 $0x0;
	s26 =	simm.s32 @!p1 $0xA780;
	[sflag:s16] =	ssyncadd.s32 $0xFFFFFC00  }
0x16a: {  	[hbm4b:s11+s25] =	stream.linear.scatter @!p1 [tilespmem:s26], [sflag:$0x4], $0x80, $0x38;
	[tilespmem:$0xB6E0] =	vst v63  }
.Ltmp2:
0x16b: {  	_ = 	snop;
	(pc) =	sbr.rel @p2 .LBB2_1-.Ltmp2, $4  }
0x16c: {  	s25 =	simm.s32 @!p1 $0x4  }
0x16d: {  	_ =	swait.ge @!p1 [sflag:s25], $0x80  }
0x16e: {  	[sflag:s25] =	ssyncset.done @!p1 $0x0  }
0x16f: {  	[sflag:s25] =	ssyncadd.s32 @!p1 $0xFFFFFF80  }
0x170: {  	_ =	sfence.sel $0x180000  }
0x171: {  	[bflag:$0x0] =	sbarrier.arrive $0xFFFF  }
0x172: {  	_ =	strace $0x90000047  }
0x173: {  	s0 =	stileid.u32;
	[bflag:$0x2] =	sbarrier.arrive $0xFFFF  }
0x174: {  	p0 =	sne.s32 s0, $0x0;
	s0 =	rddreg [dreg:$0x6]  }
0x175: {  	s0 =	sadd.s32 @!p0 $0x100000, s0  }
0x176: {  	[sflag:s0] =	ssyncadd.tile.s32 @!p0 $0x1;
	_ =	shalt  }
.Lfunc_end2:
_tile_overlayer_lowered:
.L_overlay_start_2:
0x177: {  	(tag) =	ssettag $0x2  }
0x178: {  	s0 =	rddreg [dreg:$0x0];
	s2 =	stileid.u32  }
0x179: {  	s1 =	rddreg [dreg:$0x1];
	p0 =	sne.s32 s2, $0x0  }
0x17a: {  	s3 =	rddreg [dreg:$0x2];
	[bflag:$0x3] =	sbarrier.arrive $0xFFFF;
	s2 =	simm.s32 @!p0 $0x1C04  }
0x17b: {  	[timem:s3], [sflag:s2] =	dma.local @!p0 [hbm:s0], s1  }
0x17c: {  	s0 =	simm.s32 @!p0 $0x4  }
0x17d: {  	_ =	swait.ge @!p0 [sflag:s0], s1  }
0x17e: {  	s1 =	ssub.s32 @!p0 $0x0, s1;
	[sflag:s0] =	ssyncset.done @!p0 $0x0  }
0x17f: {  	[sflag:s0] =	ssyncadd.s32 @!p0 s1  }
0x180: {  	[bflag:$0x3] =	sbarrier.arrive $0xFFFF  }
0x181: {  	_ =	shalt  }

</sc_bundles>
